<compile_context>
chip_gen: v7x
topology: tpu7x:2x2x1
jax: 0.10.2.dev20260603
libtpu: 0.0.44.dev20260713+nightly
codegen_flags: <defaults>
</compile_context>

<pallas_src>
import functools

import jax
import jax.numpy as jnp
from jax import lax
from jax.experimental import pallas as pl
from jax.experimental.pallas import tpu as pltpu
from jax.experimental.pallas import tpu_sc as plsc

N_COINS = 100000
EMBED_DIM = 64
BATCH = 16384
HIST = 50
HIST_P = 56
DIM_P = 128

NC, NS = 2, 16
NW = NC * NS
BATCH_PER_W = BATCH // NW
NB = 8
CHUNKS_PER_W = BATCH_PER_W // NB
NBUF = 2


def _gather_kernel(table_hbm, idx_hbm, out_hbm,
                   idx_v, rows0, rows1, gsem0, gsem1, wsem0, wsem1):
    wid = lax.axis_index("s") * NC + lax.axis_index("c")
    batch0 = wid * BATCH_PER_W
    rows = (rows0, rows1)
    gsem = (gsem0, gsem1)
    wsem = (wsem0, wsem1)

    pltpu.sync_copy(idx_hbm.at[pl.ds(batch0, BATCH_PER_W)], idx_v)

    def fire_gather(c, s):
        for b in range(NB):
            pltpu.async_copy(
                table_hbm.at[idx_v.at[c * NB + b]],
                rows[s].at[b],
                gsem[s])

    def drain_gather(s):
        pltpu.make_async_copy(
            out_hbm.at[pl.ds(0, NB), pl.ds(0, HIST), pl.ds(0, EMBED_DIM)],
            rows[s],
            gsem[s]).wait()

    def fire_write(c, s):
        pltpu.async_copy(
            rows[s],
            out_hbm.at[pl.ds(batch0 + c * NB, NB), pl.ds(0, HIST),
                       pl.ds(0, EMBED_DIM)],
            wsem[s])

    def drain_write(s):
        pltpu.make_async_copy(
            rows[s],
            out_hbm.at[pl.ds(batch0, NB), pl.ds(0, HIST),
                       pl.ds(0, EMBED_DIM)],
            wsem[s]).wait()

    for s in range(NBUF):
        fire_gather(s, s)

    def body(i, carry):
        g = i * NBUF
        for s in range(NBUF):
            c = g + s
            drain_gather(s)
            fire_write(c, s)
            drain_write(s)
            fire_gather(c + NBUF, s)
        return carry

    lax.fori_loop(0, (CHUNKS_PER_W - NBUF) // NBUF, body, 0)

    for s in range(NBUF):
        drain_gather(s)
        fire_write(CHUNKS_PER_W - NBUF + s, s)
        drain_write(s)


@functools.cache
def _build():
    return pl.kernel(
        _gather_kernel,
        out_type=jax.ShapeDtypeStruct((BATCH, HIST_P, DIM_P), jnp.float32),
        mesh=plsc.VectorSubcoreMesh(
            core_axis_name="c", subcore_axis_name="s",
            num_cores=NC, num_subcores=NS,
        ),
        scratch_types=[
            pltpu.VMEM((BATCH_PER_W, HIST), jnp.int32),
            pltpu.VMEM((NB, HIST, EMBED_DIM), jnp.float32),
            pltpu.VMEM((NB, HIST, EMBED_DIM), jnp.float32),
            pltpu.SemaphoreType.DMA,
            pltpu.SemaphoreType.DMA,
            pltpu.SemaphoreType.DMA,
            pltpu.SemaphoreType.DMA,
        ],
        compiler_params=pltpu.CompilerParams(use_tc_tiling_on_sc=False),
    )


def kernel(coin_id, table):
    out_p = _build()(table, coin_id.astype(jnp.int32))
    return out_p[:, :HIST, :EMBED_DIM]

# --- scband reference (transcript-rebuilt; emitter-appended) ---
"""Pipeline reference for scband-coin-embedding-6090263626422 (READ-ONLY COPY).

The authoritative reference and input builder live on the scoring server;
editing this copy changes nothing except your own understanding.
"""

import jax, jax.numpy as jnp
import numpy as np

N_COINS = 100000
EMBED_DIM = 64
BATCH = 16384
HIST = 50


def setup_inputs(seed: int = 0) -> dict:
    key = jax.random.key(seed)
    k_idx, k_tab = jax.random.split(key)
    coin_id = jax.random.randint(k_idx, (BATCH, HIST), 0, N_COINS, dtype=jnp.int64 if jax.config.jax_enable_x64 else jnp.int32)
    table = jax.random.normal(k_tab, (N_COINS, EMBED_DIM), dtype=jnp.float32)
    return {"coin_id": coin_id, "table": table}


def reference(coin_id, table):
    # nn.Embedding forward == row gather from the table
    return jnp.take(table, coin_id, axis=0)

if __name__ == "__main__":
    import jax
    _d = setup_inputs()
    print(jax.jit(kernel)(*tuple(_d.values())))

</pallas_src>

<mosaic_0001>
#map = affine_map<(d0, d1) -> (0, 0)>
#map1 = affine_map<(d0, d1) -> (0, 0, 0)>
module attributes {stable_mosaic.version = 14 : i64} {
  func.func @_gather_kernel(%arg0: i32, %arg1: i32, %arg2: memref<100000x64xf32, #tpu.memory_space<hbm>>, %arg3: memref<16384x50xi32, #tpu.memory_space<hbm>>, %arg4: memref<16384x56x128xf32, #tpu.memory_space<hbm>>, %arg5: memref<512x50xi32, #tpu.memory_space<vmem>>, %arg6: memref<8x50x64xf32, #tpu.memory_space<vmem>>, %arg7: memref<8x50x64xf32, #tpu.memory_space<vmem>>, %arg8: memref<!tpu.dma_semaphore, #tpu.memory_space<semaphore_mem>>, %arg9: memref<!tpu.dma_semaphore, #tpu.memory_space<semaphore_mem>>, %arg10: memref<!tpu.dma_semaphore, #tpu.memory_space<semaphore_mem>>, %arg11: memref<!tpu.dma_semaphore, #tpu.memory_space<semaphore_mem>>) attributes {dimension_semantics = [#tpu.dimension_semantics<core_parallel>, #tpu.dimension_semantics<subcore_parallel>], iteration_bounds = array<i64: 2, 16>, scalar_prefetch = 0 : i64, scratch_operands = 7 : i64, tpu.core_type = #tpu.core_type<sc_vector_subcore>, window_params = [{transform_indices = #map}, {transform_indices = #map}, {transform_indices = #map1}]} {
    %mul3A = arith.constant 2 : i32
    %mul3A_0 = arith.muli %arg1, %mul3A : i32
    %add3A = arith.addi %mul3A_0, %arg0 : i32
    %mul3A_1 = arith.constant 512 : i32
    %mul3A_2 = arith.muli %add3A, %mul3A_1 : i32
    "tpu.region"() ({
      %run_scoped3A = tpu.sem_alloc : memref<!tpu.dma_semaphore, #tpu.memory_space<semaphore_mem>>
      %dma_start3A_242 = arith.constant 0 : i32
      %dma_start3A_243 = tpu.memref_slice %arg3[%mul3A_2, %dma_start3A_242] : memref<16384x50xi32, #tpu.memory_space<hbm>> -> memref<512x50xi32, #tpu.memory_space<hbm>>
      %dma_start3A_244 = arith.constant 0 : i32
      %dma_start3A_245 = tpu.memref_slice %arg3[%mul3A_2, %dma_start3A_244] : memref<16384x50xi32, #tpu.memory_space<hbm>> -> memref<512x50xi32, #tpu.memory_space<hbm>>
      tpu.enqueue_dma source(%dma_start3A_245 : memref<512x50xi32, #tpu.memory_space<hbm>>) target(%arg5 : memref<512x50xi32, #tpu.memory_space<vmem>>) target_semaphore(%run_scoped3A : memref<!tpu.dma_semaphore, #tpu.memory_space<semaphore_mem>>)
      %dma_wait3A_246 = arith.constant 0 : i32
      %dma_wait3A_247 = tpu.memref_slice %arg3[%mul3A_2, %dma_wait3A_246] : memref<16384x50xi32, #tpu.memory_space<hbm>> -> memref<512x50xi32, #tpu.memory_space<hbm>>
      %dma_wait3A_248 = arith.constant 0 : i32
      %dma_wait3A_249 = tpu.memref_slice %arg3[%mul3A_2, %dma_wait3A_248] : memref<16384x50xi32, #tpu.memory_space<hbm>> -> memref<512x50xi32, #tpu.memory_space<hbm>>
      tpu.wait_dma2 semaphore(%run_scoped3A : memref<!tpu.dma_semaphore, #tpu.memory_space<semaphore_mem>>) src(%dma_wait3A_249 : memref<512x50xi32, #tpu.memory_space<hbm>>) dst(%arg5 : memref<512x50xi32, #tpu.memory_space<vmem>>)
      tpu.yield
    }) : () -> ()
    %dma_start3A = arith.constant 0 : i32
    %dma_start3A_3 = arith.constant 0 : i32
    %dma_start3A_4 = arith.constant 0 : i32
    %dma_start3A_5 = arith.constant 0 : i32
    %dma_start3A_6 = tpu.memref_slice %arg6[%dma_start3A_3, %dma_start3A_4, %dma_start3A_5] : memref<8x50x64xf32, #tpu.memory_space<vmem>> -> memref<1x50x64xf32, #tpu.memory_space<vmem>>
    %dma_start3A_7 = tpu.memref_squeeze %dma_start3A_6 : memref<1x50x64xf32, #tpu.memory_space<vmem>> -> memref<50x64xf32, #tpu.memory_space<vmem>>
    %dma_start3A_8 = arith.constant 0 : i32
    %dma_start3A_9 = tpu.memref_slice %arg5[%dma_start3A, %dma_start3A_8] : memref<512x50xi32, #tpu.memory_space<vmem>> -> memref<1x50xi32, #tpu.memory_space<vmem>>
    %dma_start3A_10 = tpu.memref_squeeze %dma_start3A_9 : memref<1x50xi32, #tpu.memory_space<vmem>> -> memref<50xi32, #tpu.memory_space<vmem>>
    %dma_start3A_11 = arith.constant 0 : i32
    %dma_start3A_12 = arith.constant 0 : i32
    %dma_start3A_13 = tpu.memref_slice %arg2[%dma_start3A_11, %dma_start3A_12] : memref<100000x64xf32, #tpu.memory_space<hbm>> -> memref<100000x64xf32, #tpu.memory_space<hbm>>
    tpu.enqueue_indirect_dma source(%dma_start3A_13 : memref<100000x64xf32, #tpu.memory_space<hbm>>) target(%dma_start3A_7 : memref<50x64xf32, #tpu.memory_space<vmem>>) offsets(%dma_start3A_10 : memref<50xi32, #tpu.memory_space<vmem>>) semaphore(%arg8 : memref<!tpu.dma_semaphore, #tpu.memory_space<semaphore_mem>>)
    %dma_start3A_14 = arith.constant 1 : i32
    %dma_start3A_15 = arith.constant 1 : i32
    %dma_start3A_16 = arith.constant 0 : i32
    %dma_start3A_17 = arith.constant 0 : i32
    %dma_start3A_18 = tpu.memref_slice %arg6[%dma_start3A_15, %dma_start3A_16, %dma_start3A_17] : memref<8x50x64xf32, #tpu.memory_space<vmem>> -> memref<1x50x64xf32, #tpu.memory_space<vmem>>
    %dma_start3A_19 = tpu.memref_squeeze %dma_start3A_18 : memref<1x50x64xf32, #tpu.memory_space<vmem>> -> memref<50x64xf32, #tpu.memory_space<vmem>>
    %dma_start3A_20 = arith.constant 0 : i32
    %dma_start3A_21 = tpu.memref_slice %arg5[%dma_start3A_14, %dma_start3A_20] : memref<512x50xi32, #tpu.memory_space<vmem>> -> memref<1x50xi32, #tpu.memory_space<vmem>>
    %dma_start3A_22 = tpu.memref_squeeze %dma_start3A_21 : memref<1x50xi32, #tpu.memory_space<vmem>> -> memref<50xi32, #tpu.memory_space<vmem>>
    %dma_start3A_23 = arith.constant 0 : i32
    %dma_start3A_24 = arith.constant 0 : i32
    %dma_start3A_25 = tpu.memref_slice %arg2[%dma_start3A_23, %dma_start3A_24] : memref<100000x64xf32, #tpu.memory_space<hbm>> -> memref<100000x64xf32, #tpu.memory_space<hbm>>
    tpu.enqueue_indirect_dma source(%dma_start3A_25 : memref<100000x64xf32, #tpu.memory_space<hbm>>) target(%dma_start3A_19 : memref<50x64xf32, #tpu.memory_space<vmem>>) offsets(%dma_start3A_22 : memref<50xi32, #tpu.memory_space<vmem>>) semaphore(%arg8 : memref<!tpu.dma_semaphore, #tpu.memory_space<semaphore_mem>>)
    %dma_start3A_26 = arith.constant 2 : i32
    %dma_start3A_27 = arith.constant 2 : i32
    %dma_start3A_28 = arith.constant 0 : i32
    %dma_start3A_29 = arith.constant 0 : i32
    %dma_start3A_30 = tpu.memref_slice %arg6[%dma_start3A_27, %dma_start3A_28, %dma_start3A_29] : memref<8x50x64xf32, #tpu.memory_space<vmem>> -> memref<1x50x64xf32, #tpu.memory_space<vmem>>
    %dma_start3A_31 = tpu.memref_squeeze %dma_start3A_30 : memref<1x50x64xf32, #tpu.memory_space<vmem>> -> memref<50x64xf32, #tpu.memory_space<vmem>>
    %dma_start3A_32 = arith.constant 0 : i32
    %dma_start3A_33 = tpu.memref_slice %arg5[%dma_start3A_26, %dma_start3A_32] : memref<512x50xi32, #tpu.memory_space<vmem>> -> memref<1x50xi32, #tpu.memory_space<vmem>>
    %dma_start3A_34 = tpu.memref_squeeze %dma_start3A_33 : memref<1x50xi32, #tpu.memory_space<vmem>> -> memref<50xi32, #tpu.memory_space<vmem>>
    %dma_start3A_35 = arith.constant 0 : i32
    %dma_start3A_36 = arith.constant 0 : i32
    %dma_start3A_37 = tpu.memref_slice %arg2[%dma_start3A_35, %dma_start3A_36] : memref<100000x64xf32, #tpu.memory_space<hbm>> -> memref<100000x64xf32, #tpu.memory_space<hbm>>
    tpu.enqueue_indirect_dma source(%dma_start3A_37 : memref<100000x64xf32, #tpu.memory_space<hbm>>) target(%dma_start3A_31 : memref<50x64xf32, #tpu.memory_space<vmem>>) offsets(%dma_start3A_34 : memref<50xi32, #tpu.memory_space<vmem>>) semaphore(%arg8 : memref<!tpu.dma_semaphore, #tpu.memory_space<semaphore_mem>>)
    %dma_start3A_38 = arith.constant 3 : i32
    %dma_start3A_39 = arith.constant 3 : i32
    %dma_start3A_40 = arith.constant 0 : i32
    %dma_start3A_41 = arith.constant 0 : i32
    %dma_start3A_42 = tpu.memref_slice %arg6[%dma_start3A_39, %dma_start3A_40, %dma_start3A_41] : memref<8x50x64xf32, #tpu.memory_space<vmem>> -> memref<1x50x64xf32, #tpu.memory_space<vmem>>
    %dma_start3A_43 = tpu.memref_squeeze %dma_start3A_42 : memref<1x50x64xf32, #tpu.memory_space<vmem>> -> memref<50x64xf32, #tpu.memory_space<vmem>>
    %dma_start3A_44 = arith.constant 0 : i32
    %dma_start3A_45 = tpu.memref_slice %arg5[%dma_start3A_38, %dma_start3A_44] : memref<512x50xi32, #tpu.memory_space<vmem>> -> memref<1x50xi32, #tpu.memory_space<vmem>>
    %dma_start3A_46 = tpu.memref_squeeze %dma_start3A_45 : memref<1x50xi32, #tpu.memory_space<vmem>> -> memref<50xi32, #tpu.memory_space<vmem>>
    %dma_start3A_47 = arith.constant 0 : i32
    %dma_start3A_48 = arith.constant 0 : i32
    %dma_start3A_49 = tpu.memref_slice %arg2[%dma_start3A_47, %dma_start3A_48] : memref<100000x64xf32, #tpu.memory_space<hbm>> -> memref<100000x64xf32, #tpu.memory_space<hbm>>
    tpu.enqueue_indirect_dma source(%dma_start3A_49 : memref<100000x64xf32, #tpu.memory_space<hbm>>) target(%dma_start3A_43 : memref<50x64xf32, #tpu.memory_space<vmem>>) offsets(%dma_start3A_46 : memref<50xi32, #tpu.memory_space<vmem>>) semaphore(%arg8 : memref<!tpu.dma_semaphore, #tpu.memory_space<semaphore_mem>>)
    %dma_start3A_50 = arith.constant 4 : i32
    %dma_start3A_51 = arith.constant 4 : i32
    %dma_start3A_52 = arith.constant 0 : i32
    %dma_start3A_53 = arith.constant 0 : i32
    %dma_start3A_54 = tpu.memref_slice %arg6[%dma_start3A_51, %dma_start3A_52, %dma_start3A_53] : memref<8x50x64xf32, #tpu.memory_space<vmem>> -> memref<1x50x64xf32, #tpu.memory_space<vmem>>
    %dma_start3A_55 = tpu.memref_squeeze %dma_start3A_54 : memref<1x50x64xf32, #tpu.memory_space<vmem>> -> memref<50x64xf32, #tpu.memory_space<vmem>>
    %dma_start3A_56 = arith.constant 0 : i32
    %dma_start3A_57 = tpu.memref_slice %arg5[%dma_start3A_50, %dma_start3A_56] : memref<512x50xi32, #tpu.memory_space<vmem>> -> memref<1x50xi32, #tpu.memory_space<vmem>>
    %dma_start3A_58 = tpu.memref_squeeze %dma_start3A_57 : memref<1x50xi32, #tpu.memory_space<vmem>> -> memref<50xi32, #tpu.memory_space<vmem>>
    %dma_start3A_59 = arith.constant 0 : i32
    %dma_start3A_60 = arith.constant 0 : i32
    %dma_start3A_61 = tpu.memref_slice %arg2[%dma_start3A_59, %dma_start3A_60] : memref<100000x64xf32, #tpu.memory_space<hbm>> -> memref<100000x64xf32, #tpu.memory_space<hbm>>
    tpu.enqueue_indirect_dma source(%dma_start3A_61 : memref<100000x64xf32, #tpu.memory_space<hbm>>) target(%dma_start3A_55 : memref<50x64xf32, #tpu.memory_space<vmem>>) offsets(%dma_start3A_58 : memref<50xi32, #tpu.memory_space<vmem>>) semaphore(%arg8 : memref<!tpu.dma_semaphore, #tpu.memory_space<semaphore_mem>>)
    %dma_start3A_62 = arith.constant 5 : i32
    %dma_start3A_63 = arith.constant 5 : i32
    %dma_start3A_64 = arith.constant 0 : i32
    %dma_start3A_65 = arith.constant 0 : i32
    %dma_start3A_66 = tpu.memref_slice %arg6[%dma_start3A_63, %dma_start3A_64, %dma_start3A_65] : memref<8x50x64xf32, #tpu.memory_space<vmem>> -> memref<1x50x64xf32, #tpu.memory_space<vmem>>
    %dma_start3A_67 = tpu.memref_squeeze %dma_start3A_66 : memref<1x50x64xf32, #tpu.memory_space<vmem>> -> memref<50x64xf32, #tpu.memory_space<vmem>>
    %dma_start3A_68 = arith.constant 0 : i32
    %dma_start3A_69 = tpu.memref_slice %arg5[%dma_start3A_62, %dma_start3A_68] : memref<512x50xi32, #tpu.memory_space<vmem>> -> memref<1x50xi32, #tpu.memory_space<vmem>>
    %dma_start3A_70 = tpu.memref_squeeze %dma_start3A_69 : memref<1x50xi32, #tpu.memory_space<vmem>> -> memref<50xi32, #tpu.memory_space<vmem>>
    %dma_start3A_71 = arith.constant 0 : i32
    %dma_start3A_72 = arith.constant 0 : i32
    %dma_start3A_73 = tpu.memref_slice %arg2[%dma_start3A_71, %dma_start3A_72] : memref<100000x64xf32, #tpu.memory_space<hbm>> -> memref<100000x64xf32, #tpu.memory_space<hbm>>
    tpu.enqueue_indirect_dma source(%dma_start3A_73 : memref<100000x64xf32, #tpu.memory_space<hbm>>) target(%dma_start3A_67 : memref<50x64xf32, #tpu.memory_space<vmem>>) offsets(%dma_start3A_70 : memref<50xi32, #tpu.memory_space<vmem>>) semaphore(%arg8 : memref<!tpu.dma_semaphore, #tpu.memory_space<semaphore_mem>>)
    %dma_start3A_74 = arith.constant 6 : i32
    %dma_start3A_75 = arith.constant 6 : i32
    %dma_start3A_76 = arith.constant 0 : i32
    %dma_start3A_77 = arith.constant 0 : i32
    %dma_start3A_78 = tpu.memref_slice %arg6[%dma_start3A_75, %dma_start3A_76, %dma_start3A_77] : memref<8x50x64xf32, #tpu.memory_space<vmem>> -> memref<1x50x64xf32, #tpu.memory_space<vmem>>
    %dma_start3A_79 = tpu.memref_squeeze %dma_start3A_78 : memref<1x50x64xf32, #tpu.memory_space<vmem>> -> memref<50x64xf32, #tpu.memory_space<vmem>>
    %dma_start3A_80 = arith.constant 0 : i32
    %dma_start3A_81 = tpu.memref_slice %arg5[%dma_start3A_74, %dma_start3A_80] : memref<512x50xi32, #tpu.memory_space<vmem>> -> memref<1x50xi32, #tpu.memory_space<vmem>>
    %dma_start3A_82 = tpu.memref_squeeze %dma_start3A_81 : memref<1x50xi32, #tpu.memory_space<vmem>> -> memref<50xi32, #tpu.memory_space<vmem>>
    %dma_start3A_83 = arith.constant 0 : i32
    %dma_start3A_84 = arith.constant 0 : i32
    %dma_start3A_85 = tpu.memref_slice %arg2[%dma_start3A_83, %dma_start3A_84] : memref<100000x64xf32, #tpu.memory_space<hbm>> -> memref<100000x64xf32, #tpu.memory_space<hbm>>
    tpu.enqueue_indirect_dma source(%dma_start3A_85 : memref<100000x64xf32, #tpu.memory_space<hbm>>) target(%dma_start3A_79 : memref<50x64xf32, #tpu.memory_space<vmem>>) offsets(%dma_start3A_82 : memref<50xi32, #tpu.memory_space<vmem>>) semaphore(%arg8 : memref<!tpu.dma_semaphore, #tpu.memory_space<semaphore_mem>>)
    %dma_start3A_86 = arith.constant 7 : i32
    %dma_start3A_87 = arith.constant 7 : i32
    %dma_start3A_88 = arith.constant 0 : i32
    %dma_start3A_89 = arith.constant 0 : i32
    %dma_start3A_90 = tpu.memref_slice %arg6[%dma_start3A_87, %dma_start3A_88, %dma_start3A_89] : memref<8x50x64xf32, #tpu.memory_space<vmem>> -> memref<1x50x64xf32, #tpu.memory_space<vmem>>
    %dma_start3A_91 = tpu.memref_squeeze %dma_start3A_90 : memref<1x50x64xf32, #tpu.memory_space<vmem>> -> memref<50x64xf32, #tpu.memory_space<vmem>>
    %dma_start3A_92 = arith.constant 0 : i32
    %dma_start3A_93 = tpu.memref_slice %arg5[%dma_start3A_86, %dma_start3A_92] : memref<512x50xi32, #tpu.memory_space<vmem>> -> memref<1x50xi32, #tpu.memory_space<vmem>>
    %dma_start3A_94 = tpu.memref_squeeze %dma_start3A_93 : memref<1x50xi32, #tpu.memory_space<vmem>> -> memref<50xi32, #tpu.memory_space<vmem>>
    %dma_start3A_95 = arith.constant 0 : i32
    %dma_start3A_96 = arith.constant 0 : i32
    %dma_start3A_97 = tpu.memref_slice %arg2[%dma_start3A_95, %dma_start3A_96] : memref<100000x64xf32, #tpu.memory_space<hbm>> -> memref<100000x64xf32, #tpu.memory_space<hbm>>
    tpu.enqueue_indirect_dma source(%dma_start3A_97 : memref<100000x64xf32, #tpu.memory_space<hbm>>) target(%dma_start3A_91 : memref<50x64xf32, #tpu.memory_space<vmem>>) offsets(%dma_start3A_94 : memref<50xi32, #tpu.memory_space<vmem>>) semaphore(%arg8 : memref<!tpu.dma_semaphore, #tpu.memory_space<semaphore_mem>>)
    %dma_start3A_98 = arith.constant 8 : i32
    %dma_start3A_99 = arith.constant 0 : i32
    %dma_start3A_100 = arith.constant 0 : i32
    %dma_start3A_101 = arith.constant 0 : i32
    %dma_start3A_102 = tpu.memref_slice %arg7[%dma_start3A_99, %dma_start3A_100, %dma_start3A_101] : memref<8x50x64xf32, #tpu.memory_space<vmem>> -> memref<1x50x64xf32, #tpu.memory_space<vmem>>
    %dma_start3A_103 = tpu.memref_squeeze %dma_start3A_102 : memref<1x50x64xf32, #tpu.memory_space<vmem>> -> memref<50x64xf32, #tpu.memory_space<vmem>>
    %dma_start3A_104 = arith.constant 0 : i32
    %dma_start3A_105 = tpu.memref_slice %arg5[%dma_start3A_98, %dma_start3A_104] : memref<512x50xi32, #tpu.memory_space<vmem>> -> memref<1x50xi32, #tpu.memory_space<vmem>>
    %dma_start3A_106 = tpu.memref_squeeze %dma_start3A_105 : memref<1x50xi32, #tpu.memory_space<vmem>> -> memref<50xi32, #tpu.memory_space<vmem>>
    %dma_start3A_107 = arith.constant 0 : i32
    %dma_start3A_108 = arith.constant 0 : i32
    %dma_start3A_109 = tpu.memref_slice %arg2[%dma_start3A_107, %dma_start3A_108] : memref<100000x64xf32, #tpu.memory_space<hbm>> -> memref<100000x64xf32, #tpu.memory_space<hbm>>
    tpu.enqueue_indirect_dma source(%dma_start3A_109 : memref<100000x64xf32, #tpu.memory_space<hbm>>) target(%dma_start3A_103 : memref<50x64xf32, #tpu.memory_space<vmem>>) offsets(%dma_start3A_106 : memref<50xi32, #tpu.memory_space<vmem>>) semaphore(%arg9 : memref<!tpu.dma_semaphore, #tpu.memory_space<semaphore_mem>>)
    %dma_start3A_110 = arith.constant 9 : i32
    %dma_start3A_111 = arith.constant 1 : i32
    %dma_start3A_112 = arith.constant 0 : i32
    %dma_start3A_113 = arith.constant 0 : i32
    %dma_start3A_114 = tpu.memref_slice %arg7[%dma_start3A_111, %dma_start3A_112, %dma_start3A_113] : memref<8x50x64xf32, #tpu.memory_space<vmem>> -> memref<1x50x64xf32, #tpu.memory_space<vmem>>
    %dma_start3A_115 = tpu.memref_squeeze %dma_start3A_114 : memref<1x50x64xf32, #tpu.memory_space<vmem>> -> memref<50x64xf32, #tpu.memory_space<vmem>>
    %dma_start3A_116 = arith.constant 0 : i32
    %dma_start3A_117 = tpu.memref_slice %arg5[%dma_start3A_110, %dma_start3A_116] : memref<512x50xi32, #tpu.memory_space<vmem>> -> memref<1x50xi32, #tpu.memory_space<vmem>>
    %dma_start3A_118 = tpu.memref_squeeze %dma_start3A_117 : memref<1x50xi32, #tpu.memory_space<vmem>> -> memref<50xi32, #tpu.memory_space<vmem>>
    %dma_start3A_119 = arith.constant 0 : i32
    %dma_start3A_120 = arith.constant 0 : i32
    %dma_start3A_121 = tpu.memref_slice %arg2[%dma_start3A_119, %dma_start3A_120] : memref<100000x64xf32, #tpu.memory_space<hbm>> -> memref<100000x64xf32, #tpu.memory_space<hbm>>
    tpu.enqueue_indirect_dma source(%dma_start3A_121 : memref<100000x64xf32, #tpu.memory_space<hbm>>) target(%dma_start3A_115 : memref<50x64xf32, #tpu.memory_space<vmem>>) offsets(%dma_start3A_118 : memref<50xi32, #tpu.memory_space<vmem>>) semaphore(%arg9 : memref<!tpu.dma_semaphore, #tpu.memory_space<semaphore_mem>>)
    %dma_start3A_122 = arith.constant 10 : i32
    %dma_start3A_123 = arith.constant 2 : i32
    %dma_start3A_124 = arith.constant 0 : i32
    %dma_start3A_125 = arith.constant 0 : i32
    %dma_start3A_126 = tpu.memref_slice %arg7[%dma_start3A_123, %dma_start3A_124, %dma_start3A_125] : memref<8x50x64xf32, #tpu.memory_space<vmem>> -> memref<1x50x64xf32, #tpu.memory_space<vmem>>
    %dma_start3A_127 = tpu.memref_squeeze %dma_start3A_126 : memref<1x50x64xf32, #tpu.memory_space<vmem>> -> memref<50x64xf32, #tpu.memory_space<vmem>>
    %dma_start3A_128 = arith.constant 0 : i32
    %dma_start3A_129 = tpu.memref_slice %arg5[%dma_start3A_122, %dma_start3A_128] : memref<512x50xi32, #tpu.memory_space<vmem>> -> memref<1x50xi32, #tpu.memory_space<vmem>>
    %dma_start3A_130 = tpu.memref_squeeze %dma_start3A_129 : memref<1x50xi32, #tpu.memory_space<vmem>> -> memref<50xi32, #tpu.memory_space<vmem>>
    %dma_start3A_131 = arith.constant 0 : i32
    %dma_start3A_132 = arith.constant 0 : i32
    %dma_start3A_133 = tpu.memref_slice %arg2[%dma_start3A_131, %dma_start3A_132] : memref<100000x64xf32, #tpu.memory_space<hbm>> -> memref<100000x64xf32, #tpu.memory_space<hbm>>
    tpu.enqueue_indirect_dma source(%dma_start3A_133 : memref<100000x64xf32, #tpu.memory_space<hbm>>) target(%dma_start3A_127 : memref<50x64xf32, #tpu.memory_space<vmem>>) offsets(%dma_start3A_130 : memref<50xi32, #tpu.memory_space<vmem>>) semaphore(%arg9 : memref<!tpu.dma_semaphore, #tpu.memory_space<semaphore_mem>>)
    %dma_start3A_134 = arith.constant 11 : i32
    %dma_start3A_135 = arith.constant 3 : i32
    %dma_start3A_136 = arith.constant 0 : i32
    %dma_start3A_137 = arith.constant 0 : i32
    %dma_start3A_138 = tpu.memref_slice %arg7[%dma_start3A_135, %dma_start3A_136, %dma_start3A_137] : memref<8x50x64xf32, #tpu.memory_space<vmem>> -> memref<1x50x64xf32, #tpu.memory_space<vmem>>
    %dma_start3A_139 = tpu.memref_squeeze %dma_start3A_138 : memref<1x50x64xf32, #tpu.memory_space<vmem>> -> memref<50x64xf32, #tpu.memory_space<vmem>>
    %dma_start3A_140 = arith.constant 0 : i32
    %dma_start3A_141 = tpu.memref_slice %arg5[%dma_start3A_134, %dma_start3A_140] : memref<512x50xi32, #tpu.memory_space<vmem>> -> memref<1x50xi32, #tpu.memory_space<vmem>>
    %dma_start3A_142 = tpu.memref_squeeze %dma_start3A_141 : memref<1x50xi32, #tpu.memory_space<vmem>> -> memref<50xi32, #tpu.memory_space<vmem>>
    %dma_start3A_143 = arith.constant 0 : i32
    %dma_start3A_144 = arith.constant 0 : i32
    %dma_start3A_145 = tpu.memref_slice %arg2[%dma_start3A_143, %dma_start3A_144] : memref<100000x64xf32, #tpu.memory_space<hbm>> -> memref<100000x64xf32, #tpu.memory_space<hbm>>
    tpu.enqueue_indirect_dma source(%dma_start3A_145 : memref<100000x64xf32, #tpu.memory_space<hbm>>) target(%dma_start3A_139 : memref<50x64xf32, #tpu.memory_space<vmem>>) offsets(%dma_start3A_142 : memref<50xi32, #tpu.memory_space<vmem>>) semaphore(%arg9 : memref<!tpu.dma_semaphore, #tpu.memory_space<semaphore_mem>>)
    %dma_start3A_146 = arith.constant 12 : i32
    %dma_start3A_147 = arith.constant 4 : i32
    %dma_start3A_148 = arith.constant 0 : i32
    %dma_start3A_149 = arith.constant 0 : i32
    %dma_start3A_150 = tpu.memref_slice %arg7[%dma_start3A_147, %dma_start3A_148, %dma_start3A_149] : memref<8x50x64xf32, #tpu.memory_space<vmem>> -> memref<1x50x64xf32, #tpu.memory_space<vmem>>
    %dma_start3A_151 = tpu.memref_squeeze %dma_start3A_150 : memref<1x50x64xf32, #tpu.memory_space<vmem>> -> memref<50x64xf32, #tpu.memory_space<vmem>>
    %dma_start3A_152 = arith.constant 0 : i32
    %dma_start3A_153 = tpu.memref_slice %arg5[%dma_start3A_146, %dma_start3A_152] : memref<512x50xi32, #tpu.memory_space<vmem>> -> memref<1x50xi32, #tpu.memory_space<vmem>>
    %dma_start3A_154 = tpu.memref_squeeze %dma_start3A_153 : memref<1x50xi32, #tpu.memory_space<vmem>> -> memref<50xi32, #tpu.memory_space<vmem>>
    %dma_start3A_155 = arith.constant 0 : i32
    %dma_start3A_156 = arith.constant 0 : i32
    %dma_start3A_157 = tpu.memref_slice %arg2[%dma_start3A_155, %dma_start3A_156] : memref<100000x64xf32, #tpu.memory_space<hbm>> -> memref<100000x64xf32, #tpu.memory_space<hbm>>
    tpu.enqueue_indirect_dma source(%dma_start3A_157 : memref<100000x64xf32, #tpu.memory_space<hbm>>) target(%dma_start3A_151 : memref<50x64xf32, #tpu.memory_space<vmem>>) offsets(%dma_start3A_154 : memref<50xi32, #tpu.memory_space<vmem>>) semaphore(%arg9 : memref<!tpu.dma_semaphore, #tpu.memory_space<semaphore_mem>>)
    %dma_start3A_158 = arith.constant 13 : i32
    %dma_start3A_159 = arith.constant 5 : i32
    %dma_start3A_160 = arith.constant 0 : i32
    %dma_start3A_161 = arith.constant 0 : i32
    %dma_start3A_162 = tpu.memref_slice %arg7[%dma_start3A_159, %dma_start3A_160, %dma_start3A_161] : memref<8x50x64xf32, #tpu.memory_space<vmem>> -> memref<1x50x64xf32, #tpu.memory_space<vmem>>
    %dma_start3A_163 = tpu.memref_squeeze %dma_start3A_162 : memref<1x50x64xf32, #tpu.memory_space<vmem>> -> memref<50x64xf32, #tpu.memory_space<vmem>>
    %dma_start3A_164 = arith.constant 0 : i32
    %dma_start3A_165 = tpu.memref_slice %arg5[%dma_start3A_158, %dma_start3A_164] : memref<512x50xi32, #tpu.memory_space<vmem>> -> memref<1x50xi32, #tpu.memory_space<vmem>>
    %dma_start3A_166 = tpu.memref_squeeze %dma_start3A_165 : memref<1x50xi32, #tpu.memory_space<vmem>> -> memref<50xi32, #tpu.memory_space<vmem>>
    %dma_start3A_167 = arith.constant 0 : i32
    %dma_start3A_168 = arith.constant 0 : i32
    %dma_start3A_169 = tpu.memref_slice %arg2[%dma_start3A_167, %dma_start3A_168] : memref<100000x64xf32, #tpu.memory_space<hbm>> -> memref<100000x64xf32, #tpu.memory_space<hbm>>
    tpu.enqueue_indirect_dma source(%dma_start3A_169 : memref<100000x64xf32, #tpu.memory_space<hbm>>) target(%dma_start3A_163 : memref<50x64xf32, #tpu.memory_space<vmem>>) offsets(%dma_start3A_166 : memref<50xi32, #tpu.memory_space<vmem>>) semaphore(%arg9 : memref<!tpu.dma_semaphore, #tpu.memory_space<semaphore_mem>>)
    %dma_start3A_170 = arith.constant 14 : i32
    %dma_start3A_171 = arith.constant 6 : i32
    %dma_start3A_172 = arith.constant 0 : i32
    %dma_start3A_173 = arith.constant 0 : i32
    %dma_start3A_174 = tpu.memref_slice %arg7[%dma_start3A_171, %dma_start3A_172, %dma_start3A_173] : memref<8x50x64xf32, #tpu.memory_space<vmem>> -> memref<1x50x64xf32, #tpu.memory_space<vmem>>
    %dma_start3A_175 = tpu.memref_squeeze %dma_start3A_174 : memref<1x50x64xf32, #tpu.memory_space<vmem>> -> memref<50x64xf32, #tpu.memory_space<vmem>>
    %dma_start3A_176 = arith.constant 0 : i32
    %dma_start3A_177 = tpu.memref_slice %arg5[%dma_start3A_170, %dma_start3A_176] : memref<512x50xi32, #tpu.memory_space<vmem>> -> memref<1x50xi32, #tpu.memory_space<vmem>>
    %dma_start3A_178 = tpu.memref_squeeze %dma_start3A_177 : memref<1x50xi32, #tpu.memory_space<vmem>> -> memref<50xi32, #tpu.memory_space<vmem>>
    %dma_start3A_179 = arith.constant 0 : i32
    %dma_start3A_180 = arith.constant 0 : i32
    %dma_start3A_181 = tpu.memref_slice %arg2[%dma_start3A_179, %dma_start3A_180] : memref<100000x64xf32, #tpu.memory_space<hbm>> -> memref<100000x64xf32, #tpu.memory_space<hbm>>
    tpu.enqueue_indirect_dma source(%dma_start3A_181 : memref<100000x64xf32, #tpu.memory_space<hbm>>) target(%dma_start3A_175 : memref<50x64xf32, #tpu.memory_space<vmem>>) offsets(%dma_start3A_178 : memref<50xi32, #tpu.memory_space<vmem>>) semaphore(%arg9 : memref<!tpu.dma_semaphore, #tpu.memory_space<semaphore_mem>>)
    %dma_start3A_182 = arith.constant 15 : i32
    %dma_start3A_183 = arith.constant 7 : i32
    %dma_start3A_184 = arith.constant 0 : i32
    %dma_start3A_185 = arith.constant 0 : i32
    %dma_start3A_186 = tpu.memref_slice %arg7[%dma_start3A_183, %dma_start3A_184, %dma_start3A_185] : memref<8x50x64xf32, #tpu.memory_space<vmem>> -> memref<1x50x64xf32, #tpu.memory_space<vmem>>
    %dma_start3A_187 = tpu.memref_squeeze %dma_start3A_186 : memref<1x50x64xf32, #tpu.memory_space<vmem>> -> memref<50x64xf32, #tpu.memory_space<vmem>>
    %dma_start3A_188 = arith.constant 0 : i32
    %dma_start3A_189 = tpu.memref_slice %arg5[%dma_start3A_182, %dma_start3A_188] : memref<512x50xi32, #tpu.memory_space<vmem>> -> memref<1x50xi32, #tpu.memory_space<vmem>>
    %dma_start3A_190 = tpu.memref_squeeze %dma_start3A_189 : memref<1x50xi32, #tpu.memory_space<vmem>> -> memref<50xi32, #tpu.memory_space<vmem>>
    %dma_start3A_191 = arith.constant 0 : i32
    %dma_start3A_192 = arith.constant 0 : i32
    %dma_start3A_193 = tpu.memref_slice %arg2[%dma_start3A_191, %dma_start3A_192] : memref<100000x64xf32, #tpu.memory_space<hbm>> -> memref<100000x64xf32, #tpu.memory_space<hbm>>
    tpu.enqueue_indirect_dma source(%dma_start3A_193 : memref<100000x64xf32, #tpu.memory_space<hbm>>) target(%dma_start3A_187 : memref<50x64xf32, #tpu.memory_space<vmem>>) offsets(%dma_start3A_190 : memref<50xi32, #tpu.memory_space<vmem>>) semaphore(%arg9 : memref<!tpu.dma_semaphore, #tpu.memory_space<semaphore_mem>>)
    %scan3A = arith.constant 0 : i32
    %scan3A_194 = arith.constant 0 : i32
    %scan3A_195 = arith.constant 31 : i32
    %scan3A_196 = arith.addi %scan3A_194, %scan3A_195 : i32
    %scan3A_197 = arith.constant 1 : i32
    scf.for %scan3A_242 = %scan3A_194 to %scan3A_196 step %scan3A_197  : i32 {
      %mul3A_243 = arith.constant 2 : i32
      %mul3A_244 = arith.muli %scan3A_242, %mul3A_243 : i32
      %add3A_245 = arith.constant 0 : i32
      %add3A_246 = arith.addi %mul3A_244, %add3A_245 : i32
      %dma_wait3A_247 = arith.constant 0 : i32
      %dma_wait3A_248 = arith.constant 0 : i32
      %dma_wait3A_249 = arith.constant 0 : i32
      %dma_wait3A_250 = tpu.memref_slice %arg4[%dma_wait3A_247, %dma_wait3A_248, %dma_wait3A_249] : memref<16384x56x128xf32, #tpu.memory_space<hbm>> -> memref<8x50x64xf32, #tpu.memory_space<hbm>>
      %dma_wait3A_251 = arith.constant 0 : i32
      %dma_wait3A_252 = arith.constant 0 : i32
      %dma_wait3A_253 = arith.constant 0 : i32
      %dma_wait3A_254 = tpu.memref_slice %arg4[%dma_wait3A_251, %dma_wait3A_252, %dma_wait3A_253] : memref<16384x56x128xf32, #tpu.memory_space<hbm>> -> memref<8x50x64xf32, #tpu.memory_space<hbm>>
      tpu.wait_dma2 semaphore(%arg8 : memref<!tpu.dma_semaphore, #tpu.memory_space<semaphore_mem>>) src(%dma_wait3A_254 : memref<8x50x64xf32, #tpu.memory_space<hbm>>) dst(%arg6 : memref<8x50x64xf32, #tpu.memory_space<vmem>>)
      %mul3A_255 = arith.constant 8 : i32
      %mul3A_256 = arith.muli %add3A_246, %mul3A_255 : i32
      %add3A_257 = arith.addi %mul3A_2, %mul3A_256 : i32
      %dma_start3A_258 = arith.constant 0 : i32
      %dma_start3A_259 = arith.constant 0 : i32
      %dma_start3A_260 = tpu.memref_slice %arg4[%add3A_257, %dma_start3A_258, %dma_start3A_259] : memref<16384x56x128xf32, #tpu.memory_space<hbm>> -> memref<8x50x64xf32, #tpu.memory_space<hbm>>
      %dma_start3A_261 = arith.constant 0 : i32
      %dma_start3A_262 = arith.constant 0 : i32
      %dma_start3A_263 = tpu.memref_slice %arg4[%add3A_257, %dma_start3A_261, %dma_start3A_262] : memref<16384x56x128xf32, #tpu.memory_space<hbm>> -> memref<8x50x64xf32, #tpu.memory_space<hbm>>
      tpu.enqueue_dma source(%arg6 : memref<8x50x64xf32, #tpu.memory_space<vmem>>) target(%dma_start3A_263 : memref<8x50x64xf32, #tpu.memory_space<hbm>>) target_semaphore(%arg10 : memref<!tpu.dma_semaphore, #tpu.memory_space<semaphore_mem>>)
      %dma_wait3A_264 = arith.constant 0 : i32
      %dma_wait3A_265 = arith.constant 0 : i32
      %dma_wait3A_266 = tpu.memref_slice %arg4[%mul3A_2, %dma_wait3A_264, %dma_wait3A_265] : memref<16384x56x128xf32, #tpu.memory_space<hbm>> -> memref<8x50x64xf32, #tpu.memory_space<hbm>>
      %dma_wait3A_267 = arith.constant 0 : i32
      %dma_wait3A_268 = arith.constant 0 : i32
      %dma_wait3A_269 = tpu.memref_slice %arg4[%mul3A_2, %dma_wait3A_267, %dma_wait3A_268] : memref<16384x56x128xf32, #tpu.memory_space<hbm>> -> memref<8x50x64xf32, #tpu.memory_space<hbm>>
      tpu.wait_dma2 semaphore(%arg10 : memref<!tpu.dma_semaphore, #tpu.memory_space<semaphore_mem>>) src(%arg6 : memref<8x50x64xf32, #tpu.memory_space<vmem>>) dst(%dma_wait3A_269 : memref<8x50x64xf32, #tpu.memory_space<hbm>>)
      %add3A_270 = arith.constant 2 : i32
      %add3A_271 = arith.addi %add3A_246, %add3A_270 : i32
      %mul3A_272 = arith.constant 8 : i32
      %mul3A_273 = arith.muli %add3A_271, %mul3A_272 : i32
      %add3A_274 = arith.constant 0 : i32
      %add3A_275 = arith.addi %mul3A_273, %add3A_274 : i32
      %dma_start3A_276 = arith.constant 0 : i32
      %dma_start3A_277 = arith.constant 0 : i32
      %dma_start3A_278 = arith.constant 0 : i32
      %dma_start3A_279 = tpu.memref_slice %arg6[%dma_start3A_276, %dma_start3A_277, %dma_start3A_278] : memref<8x50x64xf32, #tpu.memory_space<vmem>> -> memref<1x50x64xf32, #tpu.memory_space<vmem>>
      %dma_start3A_280 = tpu.memref_squeeze %dma_start3A_279 : memref<1x50x64xf32, #tpu.memory_space<vmem>> -> memref<50x64xf32, #tpu.memory_space<vmem>>
      %dma_start3A_281 = arith.constant 0 : i32
      %dma_start3A_282 = tpu.memref_slice %arg5[%add3A_275, %dma_start3A_281] : memref<512x50xi32, #tpu.memory_space<vmem>> -> memref<1x50xi32, #tpu.memory_space<vmem>>
      %dma_start3A_283 = tpu.memref_squeeze %dma_start3A_282 : memref<1x50xi32, #tpu.memory_space<vmem>> -> memref<50xi32, #tpu.memory_space<vmem>>
      %dma_start3A_284 = arith.constant 0 : i32
      %dma_start3A_285 = arith.constant 0 : i32
      %dma_start3A_286 = tpu.memref_slice %arg2[%dma_start3A_284, %dma_start3A_285] : memref<100000x64xf32, #tpu.memory_space<hbm>> -> memref<100000x64xf32, #tpu.memory_space<hbm>>
      tpu.enqueue_indirect_dma source(%dma_start3A_286 : memref<100000x64xf32, #tpu.memory_space<hbm>>) target(%dma_start3A_280 : memref<50x64xf32, #tpu.memory_space<vmem>>) offsets(%dma_start3A_283 : memref<50xi32, #tpu.memory_space<vmem>>) semaphore(%arg8 : memref<!tpu.dma_semaphore, #tpu.memory_space<semaphore_mem>>)
      %mul3A_287 = arith.constant 8 : i32
      %mul3A_288 = arith.muli %add3A_271, %mul3A_287 : i32
      %add3A_289 = arith.constant 1 : i32
      %add3A_290 = arith.addi %mul3A_288, %add3A_289 : i32
      %dma_start3A_291 = arith.constant 1 : i32
      %dma_start3A_292 = arith.constant 0 : i32
      %dma_start3A_293 = arith.constant 0 : i32
      %dma_start3A_294 = tpu.memref_slice %arg6[%dma_start3A_291, %dma_start3A_292, %dma_start3A_293] : memref<8x50x64xf32, #tpu.memory_space<vmem>> -> memref<1x50x64xf32, #tpu.memory_space<vmem>>
      %dma_start3A_295 = tpu.memref_squeeze %dma_start3A_294 : memref<1x50x64xf32, #tpu.memory_space<vmem>> -> memref<50x64xf32, #tpu.memory_space<vmem>>
      %dma_start3A_296 = arith.constant 0 : i32
      %dma_start3A_297 = tpu.memref_slice %arg5[%add3A_290, %dma_start3A_296] : memref<512x50xi32, #tpu.memory_space<vmem>> -> memref<1x50xi32, #tpu.memory_space<vmem>>
      %dma_start3A_298 = tpu.memref_squeeze %dma_start3A_297 : memref<1x50xi32, #tpu.memory_space<vmem>> -> memref<50xi32, #tpu.memory_space<vmem>>
      %dma_start3A_299 = arith.constant 0 : i32
      %dma_start3A_300 = arith.constant 0 : i32
      %dma_start3A_301 = tpu.memref_slice %arg2[%dma_start3A_299, %dma_start3A_300] : memref<100000x64xf32, #tpu.memory_space<hbm>> -> memref<100000x64xf32, #tpu.memory_space<hbm>>
      tpu.enqueue_indirect_dma source(%dma_start3A_301 : memref<100000x64xf32, #tpu.memory_space<hbm>>) target(%dma_start3A_295 : memref<50x64xf32, #tpu.memory_space<vmem>>) offsets(%dma_start3A_298 : memref<50xi32, #tpu.memory_space<vmem>>) semaphore(%arg8 : memref<!tpu.dma_semaphore, #tpu.memory_space<semaphore_mem>>)
      %mul3A_302 = arith.constant 8 : i32
      %mul3A_303 = arith.muli %add3A_271, %mul3A_302 : i32
      %add3A_304 = arith.constant 2 : i32
      %add3A_305 = arith.addi %mul3A_303, %add3A_304 : i32
      %dma_start3A_306 = arith.constant 2 : i32
      %dma_start3A_307 = arith.constant 0 : i32
      %dma_start3A_308 = arith.constant 0 : i32
      %dma_start3A_309 = tpu.memref_slice %arg6[%dma_start3A_306, %dma_start3A_307, %dma_start3A_308] : memref<8x50x64xf32, #tpu.memory_space<vmem>> -> memref<1x50x64xf32, #tpu.memory_space<vmem>>
      %dma_start3A_310 = tpu.memref_squeeze %dma_start3A_309 : memref<1x50x64xf32, #tpu.memory_space<vmem>> -> memref<50x64xf32, #tpu.memory_space<vmem>>
      %dma_start3A_311 = arith.constant 0 : i32
      %dma_start3A_312 = tpu.memref_slice %arg5[%add3A_305, %dma_start3A_311] : memref<512x50xi32, #tpu.memory_space<vmem>> -> memref<1x50xi32, #tpu.memory_space<vmem>>
      %dma_start3A_313 = tpu.memref_squeeze %dma_start3A_312 : memref<1x50xi32, #tpu.memory_space<vmem>> -> memref<50xi32, #tpu.memory_space<vmem>>
      %dma_start3A_314 = arith.constant 0 : i32
      %dma_start3A_315 = arith.constant 0 : i32
      %dma_start3A_316 = tpu.memref_slice %arg2[%dma_start3A_314, %dma_start3A_315] : memref<100000x64xf32, #tpu.memory_space<hbm>> -> memref<100000x64xf32, #tpu.memory_space<hbm>>
      tpu.enqueue_indirect_dma source(%dma_start3A_316 : memref<100000x64xf32, #tpu.memory_space<hbm>>) target(%dma_start3A_310 : memref<50x64xf32, #tpu.memory_space<vmem>>) offsets(%dma_start3A_313 : memref<50xi32, #tpu.memory_space<vmem>>) semaphore(%arg8 : memref<!tpu.dma_semaphore, #tpu.memory_space<semaphore_mem>>)
      %mul3A_317 = arith.constant 8 : i32
      %mul3A_318 = arith.muli %add3A_271, %mul3A_317 : i32
      %add3A_319 = arith.constant 3 : i32
      %add3A_320 = arith.addi %mul3A_318, %add3A_319 : i32
      %dma_start3A_321 = arith.constant 3 : i32
      %dma_start3A_322 = arith.constant 0 : i32
      %dma_start3A_323 = arith.constant 0 : i32
      %dma_start3A_324 = tpu.memref_slice %arg6[%dma_start3A_321, %dma_start3A_322, %dma_start3A_323] : memref<8x50x64xf32, #tpu.memory_space<vmem>> -> memref<1x50x64xf32, #tpu.memory_space<vmem>>
      %dma_start3A_325 = tpu.memref_squeeze %dma_start3A_324 : memref<1x50x64xf32, #tpu.memory_space<vmem>> -> memref<50x64xf32, #tpu.memory_space<vmem>>
      %dma_start3A_326 = arith.constant 0 : i32
      %dma_start3A_327 = tpu.memref_slice %arg5[%add3A_320, %dma_start3A_326] : memref<512x50xi32, #tpu.memory_space<vmem>> -> memref<1x50xi32, #tpu.memory_space<vmem>>
      %dma_start3A_328 = tpu.memref_squeeze %dma_start3A_327 : memref<1x50xi32, #tpu.memory_space<vmem>> -> memref<50xi32, #tpu.memory_space<vmem>>
      %dma_start3A_329 = arith.constant 0 : i32
      %dma_start3A_330 = arith.constant 0 : i32
      %dma_start3A_331 = tpu.memref_slice %arg2[%dma_start3A_329, %dma_start3A_330] : memref<100000x64xf32, #tpu.memory_space<hbm>> -> memref<100000x64xf32, #tpu.memory_space<hbm>>
      tpu.enqueue_indirect_dma source(%dma_start3A_331 : memref<100000x64xf32, #tpu.memory_space<hbm>>) target(%dma_start3A_325 : memref<50x64xf32, #tpu.memory_space<vmem>>) offsets(%dma_start3A_328 : memref<50xi32, #tpu.memory_space<vmem>>) semaphore(%arg8 : memref<!tpu.dma_semaphore, #tpu.memory_space<semaphore_mem>>)
      %mul3A_332 = arith.constant 8 : i32
      %mul3A_333 = arith.muli %add3A_271, %mul3A_332 : i32
      %add3A_334 = arith.constant 4 : i32
      %add3A_335 = arith.addi %mul3A_333, %add3A_334 : i32
      %dma_start3A_336 = arith.constant 4 : i32
      %dma_start3A_337 = arith.constant 0 : i32
      %dma_start3A_338 = arith.constant 0 : i32
      %dma_start3A_339 = tpu.memref_slice %arg6[%dma_start3A_336, %dma_start3A_337, %dma_start3A_338] : memref<8x50x64xf32, #tpu.memory_space<vmem>> -> memref<1x50x64xf32, #tpu.memory_space<vmem>>
      %dma_start3A_340 = tpu.memref_squeeze %dma_start3A_339 : memref<1x50x64xf32, #tpu.memory_space<vmem>> -> memref<50x64xf32, #tpu.memory_space<vmem>>
      %dma_start3A_341 = arith.constant 0 : i32
      %dma_start3A_342 = tpu.memref_slice %arg5[%add3A_335, %dma_start3A_341] : memref<512x50xi32, #tpu.memory_space<vmem>> -> memref<1x50xi32, #tpu.memory_space<vmem>>
      %dma_start3A_343 = tpu.memref_squeeze %dma_start3A_342 : memref<1x50xi32, #tpu.memory_space<vmem>> -> memref<50xi32, #tpu.memory_space<vmem>>
      %dma_start3A_344 = arith.constant 0 : i32
      %dma_start3A_345 = arith.constant 0 : i32
      %dma_start3A_346 = tpu.memref_slice %arg2[%dma_start3A_344, %dma_start3A_345] : memref<100000x64xf32, #tpu.memory_space<hbm>> -> memref<100000x64xf32, #tpu.memory_space<hbm>>
      tpu.enqueue_indirect_dma source(%dma_start3A_346 : memref<100000x64xf32, #tpu.memory_space<hbm>>) target(%dma_start3A_340 : memref<50x64xf32, #tpu.memory_space<vmem>>) offsets(%dma_start3A_343 : memref<50xi32, #tpu.memory_space<vmem>>) semaphore(%arg8 : memref<!tpu.dma_semaphore, #tpu.memory_space<semaphore_mem>>)
      %mul3A_347 = arith.constant 8 : i32
      %mul3A_348 = arith.muli %add3A_271, %mul3A_347 : i32
      %add3A_349 = arith.constant 5 : i32
      %add3A_350 = arith.addi %mul3A_348, %add3A_349 : i32
      %dma_start3A_351 = arith.constant 5 : i32
      %dma_start3A_352 = arith.constant 0 : i32
      %dma_start3A_353 = arith.constant 0 : i32
      %dma_start3A_354 = tpu.memref_slice %arg6[%dma_start3A_351, %dma_start3A_352, %dma_start3A_353] : memref<8x50x64xf32, #tpu.memory_space<vmem>> -> memref<1x50x64xf32, #tpu.memory_space<vmem>>
      %dma_start3A_355 = tpu.memref_squeeze %dma_start3A_354 : memref<1x50x64xf32, #tpu.memory_space<vmem>> -> memref<50x64xf32, #tpu.memory_space<vmem>>
      %dma_start3A_356 = arith.constant 0 : i32
      %dma_start3A_357 = tpu.memref_slice %arg5[%add3A_350, %dma_start3A_356] : memref<512x50xi32, #tpu.memory_space<vmem>> -> memref<1x50xi32, #tpu.memory_space<vmem>>
      %dma_start3A_358 = tpu.memref_squeeze %dma_start3A_357 : memref<1x50xi32, #tpu.memory_space<vmem>> -> memref<50xi32, #tpu.memory_space<vmem>>
      %dma_start3A_359 = arith.constant 0 : i32
      %dma_start3A_360 = arith.constant 0 : i32
      %dma_start3A_361 = tpu.memref_slice %arg2[%dma_start3A_359, %dma_start3A_360] : memref<100000x64xf32, #tpu.memory_space<hbm>> -> memref<100000x64xf32, #tpu.memory_space<hbm>>
      tpu.enqueue_indirect_dma source(%dma_start3A_361 : memref<100000x64xf32, #tpu.memory_space<hbm>>) target(%dma_start3A_355 : memref<50x64xf32, #tpu.memory_space<vmem>>) offsets(%dma_start3A_358 : memref<50xi32, #tpu.memory_space<vmem>>) semaphore(%arg8 : memref<!tpu.dma_semaphore, #tpu.memory_space<semaphore_mem>>)
      %mul3A_362 = arith.constant 8 : i32
      %mul3A_363 = arith.muli %add3A_271, %mul3A_362 : i32
      %add3A_364 = arith.constant 6 : i32
      %add3A_365 = arith.addi %mul3A_363, %add3A_364 : i32
      %dma_start3A_366 = arith.constant 6 : i32
      %dma_start3A_367 = arith.constant 0 : i32
      %dma_start3A_368 = arith.constant 0 : i32
      %dma_start3A_369 = tpu.memref_slice %arg6[%dma_start3A_366, %dma_start3A_367, %dma_start3A_368] : memref<8x50x64xf32, #tpu.memory_space<vmem>> -> memref<1x50x64xf32, #tpu.memory_space<vmem>>
      %dma_start3A_370 = tpu.memref_squeeze %dma_start3A_369 : memref<1x50x64xf32, #tpu.memory_space<vmem>> -> memref<50x64xf32, #tpu.memory_space<vmem>>
      %dma_start3A_371 = arith.constant 0 : i32
      %dma_start3A_372 = tpu.memref_slice %arg5[%add3A_365, %dma_start3A_371] : memref<512x50xi32, #tpu.memory_space<vmem>> -> memref<1x50xi32, #tpu.memory_space<vmem>>
      %dma_start3A_373 = tpu.memref_squeeze %dma_start3A_372 : memref<1x50xi32, #tpu.memory_space<vmem>> -> memref<50xi32, #tpu.memory_space<vmem>>
      %dma_start3A_374 = arith.constant 0 : i32
      %dma_start3A_375 = arith.constant 0 : i32
      %dma_start3A_376 = tpu.memref_slice %arg2[%dma_start3A_374, %dma_start3A_375] : memref<100000x64xf32, #tpu.memory_space<hbm>> -> memref<100000x64xf32, #tpu.memory_space<hbm>>
      tpu.enqueue_indirect_dma source(%dma_start3A_376 : memref<100000x64xf32, #tpu.memory_space<hbm>>) target(%dma_start3A_370 : memref<50x64xf32, #tpu.memory_space<vmem>>) offsets(%dma_start3A_373 : memref<50xi32, #tpu.memory_space<vmem>>) semaphore(%arg8 : memref<!tpu.dma_semaphore, #tpu.memory_space<semaphore_mem>>)
      %mul3A_377 = arith.constant 8 : i32
      %mul3A_378 = arith.muli %add3A_271, %mul3A_377 : i32
      %add3A_379 = arith.constant 7 : i32
      %add3A_380 = arith.addi %mul3A_378, %add3A_379 : i32
      %dma_start3A_381 = arith.constant 7 : i32
      %dma_start3A_382 = arith.constant 0 : i32
      %dma_start3A_383 = arith.constant 0 : i32
      %dma_start3A_384 = tpu.memref_slice %arg6[%dma_start3A_381, %dma_start3A_382, %dma_start3A_383] : memref<8x50x64xf32, #tpu.memory_space<vmem>> -> memref<1x50x64xf32, #tpu.memory_space<vmem>>
      %dma_start3A_385 = tpu.memref_squeeze %dma_start3A_384 : memref<1x50x64xf32, #tpu.memory_space<vmem>> -> memref<50x64xf32, #tpu.memory_space<vmem>>
      %dma_start3A_386 = arith.constant 0 : i32
      %dma_start3A_387 = tpu.memref_slice %arg5[%add3A_380, %dma_start3A_386] : memref<512x50xi32, #tpu.memory_space<vmem>> -> memref<1x50xi32, #tpu.memory_space<vmem>>
      %dma_start3A_388 = tpu.memref_squeeze %dma_start3A_387 : memref<1x50xi32, #tpu.memory_space<vmem>> -> memref<50xi32, #tpu.memory_space<vmem>>
      %dma_start3A_389 = arith.constant 0 : i32
      %dma_start3A_390 = arith.constant 0 : i32
      %dma_start3A_391 = tpu.memref_slice %arg2[%dma_start3A_389, %dma_start3A_390] : memref<100000x64xf32, #tpu.memory_space<hbm>> -> memref<100000x64xf32, #tpu.memory_space<hbm>>
      tpu.enqueue_indirect_dma source(%dma_start3A_391 : memref<100000x64xf32, #tpu.memory_space<hbm>>) target(%dma_start3A_385 : memref<50x64xf32, #tpu.memory_space<vmem>>) offsets(%dma_start3A_388 : memref<50xi32, #tpu.memory_space<vmem>>) semaphore(%arg8 : memref<!tpu.dma_semaphore, #tpu.memory_space<semaphore_mem>>)
      %add3A_392 = arith.constant 1 : i32
      %add3A_393 = arith.addi %mul3A_244, %add3A_392 : i32
      %dma_wait3A_394 = arith.constant 0 : i32
      %dma_wait3A_395 = arith.constant 0 : i32
      %dma_wait3A_396 = arith.constant 0 : i32
      %dma_wait3A_397 = tpu.memref_slice %arg4[%dma_wait3A_394, %dma_wait3A_395, %dma_wait3A_396] : memref<16384x56x128xf32, #tpu.memory_space<hbm>> -> memref<8x50x64xf32, #tpu.memory_space<hbm>>
      %dma_wait3A_398 = arith.constant 0 : i32
      %dma_wait3A_399 = arith.constant 0 : i32
      %dma_wait3A_400 = arith.constant 0 : i32
      %dma_wait3A_401 = tpu.memref_slice %arg4[%dma_wait3A_398, %dma_wait3A_399, %dma_wait3A_400] : memref<16384x56x128xf32, #tpu.memory_space<hbm>> -> memref<8x50x64xf32, #tpu.memory_space<hbm>>
      tpu.wait_dma2 semaphore(%arg9 : memref<!tpu.dma_semaphore, #tpu.memory_space<semaphore_mem>>) src(%dma_wait3A_401 : memref<8x50x64xf32, #tpu.memory_space<hbm>>) dst(%arg7 : memref<8x50x64xf32, #tpu.memory_space<vmem>>)
      %mul3A_402 = arith.constant 8 : i32
      %mul3A_403 = arith.muli %add3A_393, %mul3A_402 : i32
      %add3A_404 = arith.addi %mul3A_2, %mul3A_403 : i32
      %dma_start3A_405 = arith.constant 0 : i32
      %dma_start3A_406 = arith.constant 0 : i32
      %dma_start3A_407 = tpu.memref_slice %arg4[%add3A_404, %dma_start3A_405, %dma_start3A_406] : memref<16384x56x128xf32, #tpu.memory_space<hbm>> -> memref<8x50x64xf32, #tpu.memory_space<hbm>>
      %dma_start3A_408 = arith.constant 0 : i32
      %dma_start3A_409 = arith.constant 0 : i32
      %dma_start3A_410 = tpu.memref_slice %arg4[%add3A_404, %dma_start3A_408, %dma_start3A_409] : memref<16384x56x128xf32, #tpu.memory_space<hbm>> -> memref<8x50x64xf32, #tpu.memory_space<hbm>>
      tpu.enqueue_dma source(%arg7 : memref<8x50x64xf32, #tpu.memory_space<vmem>>) target(%dma_start3A_410 : memref<8x50x64xf32, #tpu.memory_space<hbm>>) target_semaphore(%arg11 : memref<!tpu.dma_semaphore, #tpu.memory_space<semaphore_mem>>)
      %dma_wait3A_411 = arith.constant 0 : i32
      %dma_wait3A_412 = arith.constant 0 : i32
      %dma_wait3A_413 = tpu.memref_slice %arg4[%mul3A_2, %dma_wait3A_411, %dma_wait3A_412] : memref<16384x56x128xf32, #tpu.memory_space<hbm>> -> memref<8x50x64xf32, #tpu.memory_space<hbm>>
      %dma_wait3A_414 = arith.constant 0 : i32
      %dma_wait3A_415 = arith.constant 0 : i32
      %dma_wait3A_416 = tpu.memref_slice %arg4[%mul3A_2, %dma_wait3A_414, %dma_wait3A_415] : memref<16384x56x128xf32, #tpu.memory_space<hbm>> -> memref<8x50x64xf32, #tpu.memory_space<hbm>>
      tpu.wait_dma2 semaphore(%arg11 : memref<!tpu.dma_semaphore, #tpu.memory_space<semaphore_mem>>) src(%arg7 : memref<8x50x64xf32, #tpu.memory_space<vmem>>) dst(%dma_wait3A_416 : memref<8x50x64xf32, #tpu.memory_space<hbm>>)
      %add3A_417 = arith.constant 2 : i32
      %add3A_418 = arith.addi %add3A_393, %add3A_417 : i32
      %mul3A_419 = arith.constant 8 : i32
      %mul3A_420 = arith.muli %add3A_418, %mul3A_419 : i32
      %add3A_421 = arith.constant 0 : i32
      %add3A_422 = arith.addi %mul3A_420, %add3A_421 : i32
      %dma_start3A_423 = arith.constant 0 : i32
      %dma_start3A_424 = arith.constant 0 : i32
      %dma_start3A_425 = arith.constant 0 : i32
      %dma_start3A_426 = tpu.memref_slice %arg7[%dma_start3A_423, %dma_start3A_424, %dma_start3A_425] : memref<8x50x64xf32, #tpu.memory_space<vmem>> -> memref<1x50x64xf32, #tpu.memory_space<vmem>>
      %dma_start3A_427 = tpu.memref_squeeze %dma_start3A_426 : memref<1x50x64xf32, #tpu.memory_space<vmem>> -> memref<50x64xf32, #tpu.memory_space<vmem>>
      %dma_start3A_428 = arith.constant 0 : i32
      %dma_start3A_429 = tpu.memref_slice %arg5[%add3A_422, %dma_start3A_428] : memref<512x50xi32, #tpu.memory_space<vmem>> -> memref<1x50xi32, #tpu.memory_space<vmem>>
      %dma_start3A_430 = tpu.memref_squeeze %dma_start3A_429 : memref<1x50xi32, #tpu.memory_space<vmem>> -> memref<50xi32, #tpu.memory_space<vmem>>
      %dma_start3A_431 = arith.constant 0 : i32
      %dma_start3A_432 = arith.constant 0 : i32
      %dma_start3A_433 = tpu.memref_slice %arg2[%dma_start3A_431, %dma_start3A_432] : memref<100000x64xf32, #tpu.memory_space<hbm>> -> memref<100000x64xf32, #tpu.memory_space<hbm>>
      tpu.enqueue_indirect_dma source(%dma_start3A_433 : memref<100000x64xf32, #tpu.memory_space<hbm>>) target(%dma_start3A_427 : memref<50x64xf32, #tpu.memory_space<vmem>>) offsets(%dma_start3A_430 : memref<50xi32, #tpu.memory_space<vmem>>) semaphore(%arg9 : memref<!tpu.dma_semaphore, #tpu.memory_space<semaphore_mem>>)
      %mul3A_434 = arith.constant 8 : i32
      %mul3A_435 = arith.muli %add3A_418, %mul3A_434 : i32
      %add3A_436 = arith.constant 1 : i32
      %add3A_437 = arith.addi %mul3A_435, %add3A_436 : i32
      %dma_start3A_438 = arith.constant 1 : i32
      %dma_start3A_439 = arith.constant 0 : i32
      %dma_start3A_440 = arith.constant 0 : i32
      %dma_start3A_441 = tpu.memref_slice %arg7[%dma_start3A_438, %dma_start3A_439, %dma_start3A_440] : memref<8x50x64xf32, #tpu.memory_space<vmem>> -> memref<1x50x64xf32, #tpu.memory_space<vmem>>
      %dma_start3A_442 = tpu.memref_squeeze %dma_start3A_441 : memref<1x50x64xf32, #tpu.memory_space<vmem>> -> memref<50x64xf32, #tpu.memory_space<vmem>>
      %dma_start3A_443 = arith.constant 0 : i32
      %dma_start3A_444 = tpu.memref_slice %arg5[%add3A_437, %dma_start3A_443] : memref<512x50xi32, #tpu.memory_space<vmem>> -> memref<1x50xi32, #tpu.memory_space<vmem>>
      %dma_start3A_445 = tpu.memref_squeeze %dma_start3A_444 : memref<1x50xi32, #tpu.memory_space<vmem>> -> memref<50xi32, #tpu.memory_space<vmem>>
      %dma_start3A_446 = arith.constant 0 : i32
      %dma_start3A_447 = arith.constant 0 : i32
      %dma_start3A_448 = tpu.memref_slice %arg2[%dma_start3A_446, %dma_start3A_447] : memref<100000x64xf32, #tpu.memory_space<hbm>> -> memref<100000x64xf32, #tpu.memory_space<hbm>>
      tpu.enqueue_indirect_dma source(%dma_start3A_448 : memref<100000x64xf32, #tpu.memory_space<hbm>>) target(%dma_start3A_442 : memref<50x64xf32, #tpu.memory_space<vmem>>) offsets(%dma_start3A_445 : memref<50xi32, #tpu.memory_space<vmem>>) semaphore(%arg9 : memref<!tpu.dma_semaphore, #tpu.memory_space<semaphore_mem>>)
      %mul3A_449 = arith.constant 8 : i32
      %mul3A_450 = arith.muli %add3A_418, %mul3A_449 : i32
      %add3A_451 = arith.constant 2 : i32
      %add3A_452 = arith.addi %mul3A_450, %add3A_451 : i32
      %dma_start3A_453 = arith.constant 2 : i32
      %dma_start3A_454 = arith.constant 0 : i32
      %dma_start3A_455 = arith.constant 0 : i32
      %dma_start3A_456 = tpu.memref_slice %arg7[%dma_start3A_453, %dma_start3A_454, %dma_start3A_455] : memref<8x50x64xf32, #tpu.memory_space<vmem>> -> memref<1x50x64xf32, #tpu.memory_space<vmem>>
      %dma_start3A_457 = tpu.memref_squeeze %dma_start3A_456 : memref<1x50x64xf32, #tpu.memory_space<vmem>> -> memref<50x64xf32, #tpu.memory_space<vmem>>
      %dma_start3A_458 = arith.constant 0 : i32
      %dma_start3A_459 = tpu.memref_slice %arg5[%add3A_452, %dma_start3A_458] : memref<512x50xi32, #tpu.memory_space<vmem>> -> memref<1x50xi32, #tpu.memory_space<vmem>>
      %dma_start3A_460 = tpu.memref_squeeze %dma_start3A_459 : memref<1x50xi32, #tpu.memory_space<vmem>> -> memref<50xi32, #tpu.memory_space<vmem>>
      %dma_start3A_461 = arith.constant 0 : i32
      %dma_start3A_462 = arith.constant 0 : i32
      %dma_start3A_463 = tpu.memref_slice %arg2[%dma_start3A_461, %dma_start3A_462] : memref<100000x64xf32, #tpu.memory_space<hbm>> -> memref<100000x64xf32, #tpu.memory_space<hbm>>
      tpu.enqueue_indirect_dma source(%dma_start3A_463 : memref<100000x64xf32, #tpu.memory_space<hbm>>) target(%dma_start3A_457 : memref<50x64xf32, #tpu.memory_space<vmem>>) offsets(%dma_start3A_460 : memref<50xi32, #tpu.memory_space<vmem>>) semaphore(%arg9 : memref<!tpu.dma_semaphore, #tpu.memory_space<semaphore_mem>>)
      %mul3A_464 = arith.constant 8 : i32
      %mul3A_465 = arith.muli %add3A_418, %mul3A_464 : i32
      %add3A_466 = arith.constant 3 : i32
      %add3A_467 = arith.addi %mul3A_465, %add3A_466 : i32
      %dma_start3A_468 = arith.constant 3 : i32
      %dma_start3A_469 = arith.constant 0 : i32
      %dma_start3A_470 = arith.constant 0 : i32
      %dma_start3A_471 = tpu.memref_slice %arg7[%dma_start3A_468, %dma_start3A_469, %dma_start3A_470] : memref<8x50x64xf32, #tpu.memory_space<vmem>> -> memref<1x50x64xf32, #tpu.memory_space<vmem>>
      %dma_start3A_472 = tpu.memref_squeeze %dma_start3A_471 : memref<1x50x64xf32, #tpu.memory_space<vmem>> -> memref<50x64xf32, #tpu.memory_space<vmem>>
      %dma_start3A_473 = arith.constant 0 : i32
      %dma_start3A_474 = tpu.memref_slice %arg5[%add3A_467, %dma_start3A_473] : memref<512x50xi32, #tpu.memory_space<vmem>> -> memref<1x50xi32, #tpu.memory_space<vmem>>
      %dma_start3A_475 = tpu.memref_squeeze %dma_start3A_474 : memref<1x50xi32, #tpu.memory_space<vmem>> -> memref<50xi32, #tpu.memory_space<vmem>>
      %dma_start3A_476 = arith.constant 0 : i32
      %dma_start3A_477 = arith.constant 0 : i32
      %dma_start3A_478 = tpu.memref_slice %arg2[%dma_start3A_476, %dma_start3A_477] : memref<100000x64xf32, #tpu.memory_space<hbm>> -> memref<100000x64xf32, #tpu.memory_space<hbm>>
      tpu.enqueue_indirect_dma source(%dma_start3A_478 : memref<100000x64xf32, #tpu.memory_space<hbm>>) target(%dma_start3A_472 : memref<50x64xf32, #tpu.memory_space<vmem>>) offsets(%dma_start3A_475 : memref<50xi32, #tpu.memory_space<vmem>>) semaphore(%arg9 : memref<!tpu.dma_semaphore, #tpu.memory_space<semaphore_mem>>)
      %mul3A_479 = arith.constant 8 : i32
      %mul3A_480 = arith.muli %add3A_418, %mul3A_479 : i32
      %add3A_481 = arith.constant 4 : i32
      %add3A_482 = arith.addi %mul3A_480, %add3A_481 : i32
      %dma_start3A_483 = arith.constant 4 : i32
      %dma_start3A_484 = arith.constant 0 : i32
      %dma_start3A_485 = arith.constant 0 : i32
      %dma_start3A_486 = tpu.memref_slice %arg7[%dma_start3A_483, %dma_start3A_484, %dma_start3A_485] : memref<8x50x64xf32, #tpu.memory_space<vmem>> -> memref<1x50x64xf32, #tpu.memory_space<vmem>>
      %dma_start3A_487 = tpu.memref_squeeze %dma_start3A_486 : memref<1x50x64xf32, #tpu.memory_space<vmem>> -> memref<50x64xf32, #tpu.memory_space<vmem>>
      %dma_start3A_488 = arith.constant 0 : i32
      %dma_start3A_489 = tpu.memref_slice %arg5[%add3A_482, %dma_start3A_488] : memref<512x50xi32, #tpu.memory_space<vmem>> -> memref<1x50xi32, #tpu.memory_space<vmem>>
      %dma_start3A_490 = tpu.memref_squeeze %dma_start3A_489 : memref<1x50xi32, #tpu.memory_space<vmem>> -> memref<50xi32, #tpu.memory_space<vmem>>
      %dma_start3A_491 = arith.constant 0 : i32
      %dma_start3A_492 = arith.constant 0 : i32
      %dma_start3A_493 = tpu.memref_slice %arg2[%dma_start3A_491, %dma_start3A_492] : memref<100000x64xf32, #tpu.memory_space<hbm>> -> memref<100000x64xf32, #tpu.memory_space<hbm>>
      tpu.enqueue_indirect_dma source(%dma_start3A_493 : memref<100000x64xf32, #tpu.memory_space<hbm>>) target(%dma_start3A_487 : memref<50x64xf32, #tpu.memory_space<vmem>>) offsets(%dma_start3A_490 : memref<50xi32, #tpu.memory_space<vmem>>) semaphore(%arg9 : memref<!tpu.dma_semaphore, #tpu.memory_space<semaphore_mem>>)
      %mul3A_494 = arith.constant 8 : i32
      %mul3A_495 = arith.muli %add3A_418, %mul3A_494 : i32
      %add3A_496 = arith.constant 5 : i32
      %add3A_497 = arith.addi %mul3A_495, %add3A_496 : i32
      %dma_start3A_498 = arith.constant 5 : i32
      %dma_start3A_499 = arith.constant 0 : i32
      %dma_start3A_500 = arith.constant 0 : i32
      %dma_start3A_501 = tpu.memref_slice %arg7[%dma_start3A_498, %dma_start3A_499, %dma_start3A_500] : memref<8x50x64xf32, #tpu.memory_space<vmem>> -> memref<1x50x64xf32, #tpu.memory_space<vmem>>
      %dma_start3A_502 = tpu.memref_squeeze %dma_start3A_501 : memref<1x50x64xf32, #tpu.memory_space<vmem>> -> memref<50x64xf32, #tpu.memory_space<vmem>>
      %dma_start3A_503 = arith.constant 0 : i32
      %dma_start3A_504 = tpu.memref_slice %arg5[%add3A_497, %dma_start3A_503] : memref<512x50xi32, #tpu.memory_space<vmem>> -> memref<1x50xi32, #tpu.memory_space<vmem>>
      %dma_start3A_505 = tpu.memref_squeeze %dma_start3A_504 : memref<1x50xi32, #tpu.memory_space<vmem>> -> memref<50xi32, #tpu.memory_space<vmem>>
      %dma_start3A_506 = arith.constant 0 : i32
      %dma_start3A_507 = arith.constant 0 : i32
      %dma_start3A_508 = tpu.memref_slice %arg2[%dma_start3A_506, %dma_start3A_507] : memref<100000x64xf32, #tpu.memory_space<hbm>> -> memref<100000x64xf32, #tpu.memory_space<hbm>>
      tpu.enqueue_indirect_dma source(%dma_start3A_508 : memref<100000x64xf32, #tpu.memory_space<hbm>>) target(%dma_start3A_502 : memref<50x64xf32, #tpu.memory_space<vmem>>) offsets(%dma_start3A_505 : memref<50xi32, #tpu.memory_space<vmem>>) semaphore(%arg9 : memref<!tpu.dma_semaphore, #tpu.memory_space<semaphore_mem>>)
      %mul3A_509 = arith.constant 8 : i32
      %mul3A_510 = arith.muli %add3A_418, %mul3A_509 : i32
      %add3A_511 = arith.constant 6 : i32
      %add3A_512 = arith.addi %mul3A_510, %add3A_511 : i32
      %dma_start3A_513 = arith.constant 6 : i32
      %dma_start3A_514 = arith.constant 0 : i32
      %dma_start3A_515 = arith.constant 0 : i32
      %dma_start3A_516 = tpu.memref_slice %arg7[%dma_start3A_513, %dma_start3A_514, %dma_start3A_515] : memref<8x50x64xf32, #tpu.memory_space<vmem>> -> memref<1x50x64xf32, #tpu.memory_space<vmem>>
      %dma_start3A_517 = tpu.memref_squeeze %dma_start3A_516 : memref<1x50x64xf32, #tpu.memory_space<vmem>> -> memref<50x64xf32, #tpu.memory_space<vmem>>
      %dma_start3A_518 = arith.constant 0 : i32
      %dma_start3A_519 = tpu.memref_slice %arg5[%add3A_512, %dma_start3A_518] : memref<512x50xi32, #tpu.memory_space<vmem>> -> memref<1x50xi32, #tpu.memory_space<vmem>>
      %dma_start3A_520 = tpu.memref_squeeze %dma_start3A_519 : memref<1x50xi32, #tpu.memory_space<vmem>> -> memref<50xi32, #tpu.memory_space<vmem>>
      %dma_start3A_521 = arith.constant 0 : i32
      %dma_start3A_522 = arith.constant 0 : i32
      %dma_start3A_523 = tpu.memref_slice %arg2[%dma_start3A_521, %dma_start3A_522] : memref<100000x64xf32, #tpu.memory_space<hbm>> -> memref<100000x64xf32, #tpu.memory_space<hbm>>
      tpu.enqueue_indirect_dma source(%dma_start3A_523 : memref<100000x64xf32, #tpu.memory_space<hbm>>) target(%dma_start3A_517 : memref<50x64xf32, #tpu.memory_space<vmem>>) offsets(%dma_start3A_520 : memref<50xi32, #tpu.memory_space<vmem>>) semaphore(%arg9 : memref<!tpu.dma_semaphore, #tpu.memory_space<semaphore_mem>>)
      %mul3A_524 = arith.constant 8 : i32
      %mul3A_525 = arith.muli %add3A_418, %mul3A_524 : i32
      %add3A_526 = arith.constant 7 : i32
      %add3A_527 = arith.addi %mul3A_525, %add3A_526 : i32
      %dma_start3A_528 = arith.constant 7 : i32
      %dma_start3A_529 = arith.constant 0 : i32
      %dma_start3A_530 = arith.constant 0 : i32
      %dma_start3A_531 = tpu.memref_slice %arg7[%dma_start3A_528, %dma_start3A_529, %dma_start3A_530] : memref<8x50x64xf32, #tpu.memory_space<vmem>> -> memref<1x50x64xf32, #tpu.memory_space<vmem>>
      %dma_start3A_532 = tpu.memref_squeeze %dma_start3A_531 : memref<1x50x64xf32, #tpu.memory_space<vmem>> -> memref<50x64xf32, #tpu.memory_space<vmem>>
      %dma_start3A_533 = arith.constant 0 : i32
      %dma_start3A_534 = tpu.memref_slice %arg5[%add3A_527, %dma_start3A_533] : memref<512x50xi32, #tpu.memory_space<vmem>> -> memref<1x50xi32, #tpu.memory_space<vmem>>
      %dma_start3A_535 = tpu.memref_squeeze %dma_start3A_534 : memref<1x50xi32, #tpu.memory_space<vmem>> -> memref<50xi32, #tpu.memory_space<vmem>>
      %dma_start3A_536 = arith.constant 0 : i32
      %dma_start3A_537 = arith.constant 0 : i32
      %dma_start3A_538 = tpu.memref_slice %arg2[%dma_start3A_536, %dma_start3A_537] : memref<100000x64xf32, #tpu.memory_space<hbm>> -> memref<100000x64xf32, #tpu.memory_space<hbm>>
      tpu.enqueue_indirect_dma source(%dma_start3A_538 : memref<100000x64xf32, #tpu.memory_space<hbm>>) target(%dma_start3A_532 : memref<50x64xf32, #tpu.memory_space<vmem>>) offsets(%dma_start3A_535 : memref<50xi32, #tpu.memory_space<vmem>>) semaphore(%arg9 : memref<!tpu.dma_semaphore, #tpu.memory_space<semaphore_mem>>)
    }
    %scan3A_198 = arith.constant 31 : i32
    %dma_wait3A = arith.constant 0 : i32
    %dma_wait3A_199 = arith.constant 0 : i32
    %dma_wait3A_200 = arith.constant 0 : i32
    %dma_wait3A_201 = tpu.memref_slice %arg4[%dma_wait3A, %dma_wait3A_199, %dma_wait3A_200] : memref<16384x56x128xf32, #tpu.memory_space<hbm>> -> memref<8x50x64xf32, #tpu.memory_space<hbm>>
    %dma_wait3A_202 = arith.constant 0 : i32
    %dma_wait3A_203 = arith.constant 0 : i32
    %dma_wait3A_204 = arith.constant 0 : i32
    %dma_wait3A_205 = tpu.memref_slice %arg4[%dma_wait3A_202, %dma_wait3A_203, %dma_wait3A_204] : memref<16384x56x128xf32, #tpu.memory_space<hbm>> -> memref<8x50x64xf32, #tpu.memory_space<hbm>>
    tpu.wait_dma2 semaphore(%arg8 : memref<!tpu.dma_semaphore, #tpu.memory_space<semaphore_mem>>) src(%dma_wait3A_205 : memref<8x50x64xf32, #tpu.memory_space<hbm>>) dst(%arg6 : memref<8x50x64xf32, #tpu.memory_space<vmem>>)
    %add3A_206 = arith.constant 496 : i32
    %add3A_207 = arith.addi %mul3A_2, %add3A_206 : i32
    %dma_start3A_208 = arith.constant 0 : i32
    %dma_start3A_209 = arith.constant 0 : i32
    %dma_start3A_210 = tpu.memref_slice %arg4[%add3A_207, %dma_start3A_208, %dma_start3A_209] : memref<16384x56x128xf32, #tpu.memory_space<hbm>> -> memref<8x50x64xf32, #tpu.memory_space<hbm>>
    %dma_start3A_211 = arith.constant 0 : i32
    %dma_start3A_212 = arith.constant 0 : i32
    %dma_start3A_213 = tpu.memref_slice %arg4[%add3A_207, %dma_start3A_211, %dma_start3A_212] : memref<16384x56x128xf32, #tpu.memory_space<hbm>> -> memref<8x50x64xf32, #tpu.memory_space<hbm>>
    tpu.enqueue_dma source(%arg6 : memref<8x50x64xf32, #tpu.memory_space<vmem>>) target(%dma_start3A_213 : memref<8x50x64xf32, #tpu.memory_space<hbm>>) target_semaphore(%arg10 : memref<!tpu.dma_semaphore, #tpu.memory_space<semaphore_mem>>)
    %dma_wait3A_214 = arith.constant 0 : i32
    %dma_wait3A_215 = arith.constant 0 : i32
    %dma_wait3A_216 = tpu.memref_slice %arg4[%mul3A_2, %dma_wait3A_214, %dma_wait3A_215] : memref<16384x56x128xf32, #tpu.memory_space<hbm>> -> memref<8x50x64xf32, #tpu.memory_space<hbm>>
    %dma_wait3A_217 = arith.constant 0 : i32
    %dma_wait3A_218 = arith.constant 0 : i32
    %dma_wait3A_219 = tpu.memref_slice %arg4[%mul3A_2, %dma_wait3A_217, %dma_wait3A_218] : memref<16384x56x128xf32, #tpu.memory_space<hbm>> -> memref<8x50x64xf32, #tpu.memory_space<hbm>>
    tpu.wait_dma2 semaphore(%arg10 : memref<!tpu.dma_semaphore, #tpu.memory_space<semaphore_mem>>) src(%arg6 : memref<8x50x64xf32, #tpu.memory_space<vmem>>) dst(%dma_wait3A_219 : memref<8x50x64xf32, #tpu.memory_space<hbm>>)
    %dma_wait3A_220 = arith.constant 0 : i32
    %dma_wait3A_221 = arith.constant 0 : i32
    %dma_wait3A_222 = arith.constant 0 : i32
    %dma_wait3A_223 = tpu.memref_slice %arg4[%dma_wait3A_220, %dma_wait3A_221, %dma_wait3A_222] : memref<16384x56x128xf32, #tpu.memory_space<hbm>> -> memref<8x50x64xf32, #tpu.memory_space<hbm>>
    %dma_wait3A_224 = arith.constant 0 : i32
    %dma_wait3A_225 = arith.constant 0 : i32
    %dma_wait3A_226 = arith.constant 0 : i32
    %dma_wait3A_227 = tpu.memref_slice %arg4[%dma_wait3A_224, %dma_wait3A_225, %dma_wait3A_226] : memref<16384x56x128xf32, #tpu.memory_space<hbm>> -> memref<8x50x64xf32, #tpu.memory_space<hbm>>
    tpu.wait_dma2 semaphore(%arg9 : memref<!tpu.dma_semaphore, #tpu.memory_space<semaphore_mem>>) src(%dma_wait3A_227 : memref<8x50x64xf32, #tpu.memory_space<hbm>>) dst(%arg7 : memref<8x50x64xf32, #tpu.memory_space<vmem>>)
    %add3A_228 = arith.constant 504 : i32
    %add3A_229 = arith.addi %mul3A_2, %add3A_228 : i32
    %dma_start3A_230 = arith.constant 0 : i32
    %dma_start3A_231 = arith.constant 0 : i32
    %dma_start3A_232 = tpu.memref_slice %arg4[%add3A_229, %dma_start3A_230, %dma_start3A_231] : memref<16384x56x128xf32, #tpu.memory_space<hbm>> -> memref<8x50x64xf32, #tpu.memory_space<hbm>>
    %dma_start3A_233 = arith.constant 0 : i32
    %dma_start3A_234 = arith.constant 0 : i32
    %dma_start3A_235 = tpu.memref_slice %arg4[%add3A_229, %dma_start3A_233, %dma_start3A_234] : memref<16384x56x128xf32, #tpu.memory_space<hbm>> -> memref<8x50x64xf32, #tpu.memory_space<hbm>>
    tpu.enqueue_dma source(%arg7 : memref<8x50x64xf32, #tpu.memory_space<vmem>>) target(%dma_start3A_235 : memref<8x50x64xf32, #tpu.memory_space<hbm>>) target_semaphore(%arg11 : memref<!tpu.dma_semaphore, #tpu.memory_space<semaphore_mem>>)
    %dma_wait3A_236 = arith.constant 0 : i32
    %dma_wait3A_237 = arith.constant 0 : i32
    %dma_wait3A_238 = tpu.memref_slice %arg4[%mul3A_2, %dma_wait3A_236, %dma_wait3A_237] : memref<16384x56x128xf32, #tpu.memory_space<hbm>> -> memref<8x50x64xf32, #tpu.memory_space<hbm>>
    %dma_wait3A_239 = arith.constant 0 : i32
    %dma_wait3A_240 = arith.constant 0 : i32
    %dma_wait3A_241 = tpu.memref_slice %arg4[%mul3A_2, %dma_wait3A_239, %dma_wait3A_240] : memref<16384x56x128xf32, #tpu.memory_space<hbm>> -> memref<8x50x64xf32, #tpu.memory_space<hbm>>
    tpu.wait_dma2 semaphore(%arg11 : memref<!tpu.dma_semaphore, #tpu.memory_space<semaphore_mem>>) src(%arg7 : memref<8x50x64xf32, #tpu.memory_space<vmem>>) dst(%dma_wait3A_241 : memref<8x50x64xf32, #tpu.memory_space<hbm>>)
    return
  }
}

</mosaic_0001>

<sc_bundles>
// kernel: kernel.3.cloned.1.call-start
scs
__scs_entry_jumppad:
0x0: {  	(pc) =	sbr.rel $0x88, $3  }
0x1: {  	(tag) =	ssettag $0x0;
	lr =	simm.s32 $0x1  }
0x2: {  	[smem:$0x3F9F] =	sst lr;
	_ =	strace $0xD0000000  }
0x3: {  	_ = 	snop  }
0x4: {  	_ = 	snop  }
0x5: {  	_ = 	snop  }
0x6: {  	_ = 	snop  }
0x7: {  	_ = 	snop  }
__scs_overlays_trampoline_lowered:
0x8: {  	[smem:$0x3FAE] =	sst s0  }
0x9: {  	[smem:$0x3FAF] =	sst s1  }
0xa: {  	[smem:$0x3FB0] =	sst s2  }
0xb: {  	[smem:$0x3FB1] =	sst s3  }
0xc: {  	[smem:$0x3FB2] =	sst s4  }
0xd: {  	[smem:$0x3FB3] =	sst s5  }
0xe: {  	[smem:$0x3FB4] =	sst s6  }
0xf: {  	[smem:$0x3FB5] =	sst s7  }
0x10: {  	[smem:$0x3FB6] =	sst s8  }
0x11: {  	[smem:$0x3FB7] =	sst s9;
	s0 =	simm.s32 @!p0 $0x0  }
0x12: {  	s1 =	sld [smem:$0x3F9D];
	s0 =	simm.s32 @p0 $0x1  }
0x13: {  	[smem:$0x3FB8] =	sst s0;
	s0 =	simm.s32 @!p1 $0x0  }
0x14: {  	s2 =	sld [smem:$0x3F9C];
	s0 =	simm.s32 @p1 $0x1  }
0x15: {  	[smem:$0x3FB9] =	sst s0;
	s0 =	simm.s32 @!p2 $0x0  }
0x16: {  	s3 =	sld [smem:$0x3FDB];
	s0 =	simm.s32 @p2 $0x1  }
0x17: {  	s4 =	simm.s32 $0x1BF5;
	[smem:$0x3FBB] =	sst s0  }
0x18: {  	s0 =	sld [smem:$0x3F9E];
	_ =	swait.ge [sflag:s4], $0x0  }
0x19: {  	s7 =	sld [smem:$0x3F9F]  }
0x1a: {  	s8 =	sadd.s32 $0xFFFFE003, lr  }
0x1b: {  	s9 =	sadd.s32 $0xFFFFFEF7, lr;
	s5 =	simm.s32 $0xFFFFFFFF;
	p2 =	slt.u32 s8, $0xFFFFF086  }
0x1c: {  	p1 =	slt.u32 s9, $0xF7A;
	s5 =	simm.s32 @!p2 $0x0  }
0x1d: {  	s5 =	simm.s32 @p1 $0x1;
	p0 =	seq.s32 s7, s2  }
0x1e: {  	s7 =	smul.u32 @!p0 $0xF7A, s2;
	p2 =	seq.s32 @!p0 s5, $0x0  }
0x1f: {  	s9 =	smul.u32 $0xF7A, s1;
	s8 =	simm.s32 @!p0 $0x1BF5;
	p2 =	por !p2, p0  }
0x20: {  	[sflag:s8] =	ssyncset.s32 @!p0 $0xFFFFF086;
	s6 =	sadd.s32 @!p0 s3, s7;
	s7 =	simm.s32 @!p0 $0x108  }
0x21: {  	s3 =	sadd.s32 s3, s9;
	s6 =	sadd.s32 @!p0 $0x88, s6;
	s7 =	simm.s32 @p2 $0x1082  }
0x22: {  	[simem:s7], [sflag:s8] =	dma.local @!p0 [hbm:s6], $0xF7A  }
0x23: {  	s9 =	sor.u32 $0xD0000000, s2;
	s6 =	simm.s32 $0x108;
	_ =	swait.ge @!p0 [sflag:s8], $0x0  }
0x24: {  	s3 =	sadd.s32 $0x88, s3;
	s6 =	simm.s32 @!p1 $0x1082;
	[sflag:s4] =	ssyncset.s32 $0xFFFFF086  }
0x25: {  	[simem:s6], [sflag:s4] =	dma.local [hbm:s3], $0xF7A  }
0x26: {  	[smem:$0x3F9F] =	sst s1;
	(tag) =	ssettag s2;
	_ =	strace s9  }
0x27: {  	s1 =	sld [smem:$0x3FAF]  }
0x28: {  	s2 =	sld [smem:$0x3FB0]  }
0x29: {  	s4 =	sld [smem:$0x3FB2]  }
0x2a: {  	p0 =	seq.s32 s5, $0x0;
	s5 =	sld [smem:$0x3FB3]  }
0x2b: {  	s6 =	sld [smem:$0x3FB4]  }
0x2c: {  	s7 =	sld [smem:$0x3FB5]  }
0x2d: {  	s3 =	simm.s32 $0x108;
	s8 =	sld [smem:$0x3FB6]  }
0x2e: {  	s3 =	simm.s32 @!p0 $0x1082;
	s9 =	sld [smem:$0x3FB7]  }
0x2f: {  	lr =	sadd.s32 s0, s3;
	s0 =	sld [smem:$0x3FAE]  }
0x30: {  	s3 =	sld [smem:$0x3FB1]  }
0x31: {  	[smem:$0x3FBA] =	sst s10  }
0x32: {  	s10 =	sld [smem:$0x3FB8];
	_ =	sdelay $0x3  }
0x33: {  	p0 =	seq.s32 s10, $0x1;
	s10 =	sld [smem:$0x3FBA];
	_ =	sdelay $0x3  }
0x34: {  	[smem:$0x3FBA] =	sst s10  }
0x35: {  	s10 =	sld [smem:$0x3FB9];
	_ =	sdelay $0x3  }
0x36: {  	p1 =	seq.s32 s10, $0x1;
	s10 =	sld [smem:$0x3FBA];
	_ =	sdelay $0x3  }
0x37: {  	[smem:$0x3FBA] =	sst s10  }
0x38: {  	s10 =	sld [smem:$0x3FBB]  }
0x39: {  	_ = 	snop;
	(pc) =	sbr.ind lr, $3  }
0x3a: {  	_ = 	snop  }
0x3b: {  	_ = 	snop  }
0x3c: {  	p2 =	seq.s32 s10, $0x1;
	s10 =	sld [smem:$0x3FBA]  }
0x3d: {  	_ =	shalt  }
0x3e: {  	_ =	shalt  }
0x3f: {  	_ =	shalt  }
0x40: {  	_ =	shalt  }
0x41: {  	_ =	shalt  }
0x42: {  	_ =	shalt  }
0x43: {  	_ =	shalt  }
0x44: {  	_ =	shalt  }
0x45: {  	_ =	shalt  }
0x46: {  	_ =	shalt  }
0x47: {  	_ =	shalt  }
0x48: {  	_ =	shalt  }
0x49: {  	_ =	shalt  }
0x4a: {  	_ =	shalt  }
0x4b: {  	_ =	shalt  }
0x4c: {  	_ =	shalt  }
0x4d: {  	_ =	shalt  }
0x4e: {  	_ =	shalt  }
0x4f: {  	_ =	shalt  }
0x50: {  	_ =	shalt  }
0x51: {  	_ =	shalt  }
0x52: {  	_ =	shalt  }
0x53: {  	_ =	shalt  }
0x54: {  	_ =	shalt  }
0x55: {  	_ =	shalt  }
0x56: {  	_ =	shalt  }
0x57: {  	_ =	shalt  }
0x58: {  	_ =	shalt  }
0x59: {  	_ =	shalt  }
0x5a: {  	_ =	shalt  }
0x5b: {  	_ =	shalt  }
0x5c: {  	_ =	shalt  }
0x5d: {  	_ =	shalt  }
0x5e: {  	_ =	shalt  }
0x5f: {  	_ =	shalt  }
0x60: {  	_ =	shalt  }
0x61: {  	_ =	shalt  }
0x62: {  	_ =	shalt  }
0x63: {  	_ =	shalt  }
0x64: {  	_ =	shalt  }
0x65: {  	_ =	shalt  }
0x66: {  	_ =	shalt  }
0x67: {  	_ =	shalt  }
0x68: {  	_ =	shalt  }
0x69: {  	_ =	shalt  }
0x6a: {  	_ =	shalt  }
0x6b: {  	_ =	shalt  }
0x6c: {  	_ =	shalt  }
0x6d: {  	_ =	shalt  }
0x6e: {  	_ =	shalt  }
0x6f: {  	_ =	shalt  }
0x70: {  	_ =	shalt  }
0x71: {  	_ =	shalt  }
0x72: {  	_ =	shalt  }
0x73: {  	_ =	shalt  }
0x74: {  	_ =	shalt  }
0x75: {  	_ =	shalt  }
0x76: {  	_ =	shalt  }
0x77: {  	_ =	shalt  }
0x78: {  	_ =	shalt  }
0x79: {  	_ =	shalt  }
0x7a: {  	_ =	shalt  }
0x7b: {  	_ =	shalt  }
0x7c: {  	_ =	shalt  }
0x7d: {  	_ =	shalt  }
0x7e: {  	_ =	shalt  }
0x7f: {  	_ =	shalt  }
0x80: {  	_ =	shalt  }
0x81: {  	_ =	shalt  }
0x82: {  	_ =	shalt  }
0x83: {  	_ =	shalt  }
0x84: {  	_ =	shalt  }
0x85: {  	_ =	shalt  }
0x86: {  	_ =	shalt  }
0x87: {  	_ =	shalt  }
.Lfunc_end0:
.L_simem_size_0:
called_computation.1_lowered:
.L_overlay_start_0:
0x88: {  	s2 =	sld [smem:$0x3FD9]  }
0x89: {  	s3 =	sld [smem:$0x3FFE];
	_ =	sdelay $0x1  }
0x8a: {  	s1 =	srdreg.scid  }
0x8b: {  	s0 =	sand.u32 $0x1, s1  }
0x8c: {  	s16 =	sshll.u32 s0, $0xA;
	s2 =	sadd.s32 s3, s2  }
0x8d: {  	s2 =	sadd.s32 s2, s16  }
0x8e: {  	[smem:$0x3FC6] =	sst s2  }
0x8f: {  	_ = 	snop  }
0x90: {  	(tm) =	ssettm $0x1  }
0x91: {  	s17 =	sld [smem:$0x3FFB];
	_ =	sdelay $0x3  }
0x92: {  	_ =	strace s17  }
0x93: {  	s2 =	sld [smem:$0x3FFC];
	_ =	sdelay $0x3  }
0x94: {  	_ =	strace s2  }
0x95: {  	s2 =	sld [smem:$0x3FFD];
	_ =	sdelay $0x3  }
0x96: {  	_ =	strace s2  }
0x97: {  	_ =	strace $0x8FFFFFFF  }
0x98: {  	s18 =	sld [smem:$0x3FDB];
	_ =	sdelay $0x1  }
0x99: {  	s19 =	simm.s32 $_scs_section_size  }
0x9a: {  	s4 =	simm.s32 $_size__tile_overlayer_lowered;
	s5 =	simm.s32 $_tile_overlayer_lowered  }
0x9b: {  	s22 =	simm.s32 $0x1BFF;
	s21 =	sshll.u32 s5, $0x1;
	s2 =	sadd.s32 s19, s18  }
0x9c: {  	s6 =	simm.s32 $0x0;
	s20 =	sshll.u32 s4, $0x1;
	s4 =	sadd.s32 s21, s2  }
0x9d: {  	[timem:s6], [sflag:s22] =	dma.local [hbm:s4], s20  }
0x9e: {  	_ =	swait.ge [sflag:s22], s20  }
0x9f: {  	s3 =	ssub.s32 $0x0, s20;
	[sflag:s22] =	ssyncset.done $0x0  }
0xa0: {  	[sflag:s22] =	ssyncadd.s32 s3;
	_ =	sdelay $0x1  }
0xa1: {  	s23 =	simm.s32 $0x1B8B  }
0xa2: {  	_ =	swait.ge [sflag:s23], $0x1  }
0xa3: {  	[sflag:s23] =	ssyncset.done $0x0  }
0xa4: {  	s25 =	simm.s32 $0x1B8E;
	s24 =	sld [smem:$0x3FFE];
	[sflag:s23] =	ssyncadd.s32 $0xFFFFFFFF  }
0xa5: {  	s26 =	simm.s32 $execute0_lowered;
	[smem:$0x3FD2] =	sst s25  }
0xa6: {  	s4 =	sshll.u32 s26, $0x1;
	_ =	strace $0x80000046;
	[dreg:$0x1] =	wrdreg $0xFFFFFFFF  }
0xa7: {  	s28 =	simm.s32 $_size_execute0_lowered;
	s2 =	sadd.s32 s2, s4;
	[dreg:$0x0] =	wrdreg $0x0  }
0xa8: {  	s4 =	sshll.u32 s28, $0x1;
	[dreg:$0x2] =	wrdreg s2  }
0xa9: {  	[dreg:$0x3] =	wrdreg s4  }
0xaa: {  	[dreg:$0x4] =	wrdreg $0xC0  }
0xab: {  	_ =	task [dreg:s6], $0x5FFFF  }
0xac: {  	[dreg:$0x1] =	wrdreg $0xFFFFFFFF  }
0xad: {  	[dreg:$0x0] =	wrdreg $0x60  }
0xae: {  	[dreg:$0x2] =	wrdreg s24  }
0xaf: {  	[dreg:$0x3] =	wrdreg $0x9  }
0xb0: {  	_ =	task.clear_ibuf [dreg:s6], $0x4FFFF;
	_ =	strace $0x90000046  }
0xb1: {  	s29 =	simm.s32 $0x9;
	_ =	strace $0x80000048  }
0xb2: {  	_ =	swait.ge [sflag:s29], $0x1  }
0xb3: {  	[sflag:s29] =	ssyncadd.s32 $0xFFFFFFFF  }
0xb4: {  	_ =	strace $0x90000048  }
0xb5: {  	_ =	sfence  }
0xb6: {  	s30 =	sld [smem:$0x0];
	_ =	sdelay $0x2  }
0xb7: {  	s31 =	sshll.u32 s1, $0xD;
	s1 =	sshrl.u32 s1, $0x2  }
0xb8: {  	s3 =	sand.u32 $0x4000, s31;
	s1 =	sadd.s32 s1, s30  }
0xb9: {  	s0 =	sor.u32 s3, s0;
	s1 =	sshll.u32 s1, $0x11  }
0xba: {  	s0 =	sor.u32 s1, s0  }
0xbb: {  	s0 =	sadd.s32 $0x8F2B, s0  }
0xbc: {  	[sflag:s0] =	ssyncadd.remote.s32 $0x1  }
0xbd: {  	_ =	sfence.sel $0xFFFF  }
0xbe: {  	[dreg:$0x0] =	wrdreg $0xFFFFFFFF;
	(pc) =	sbr.abs _section_cstart, $3  }
0xbf: {  	[dreg:$0x1] =	wrdreg $0xFFFFFFFF  }
0xc0: {  	_ =	task.clear_ibuf [dreg:s6], $0x2FFFF;
	_ =	strace $0x9FFFFFFF  }
0xc1: {  	(tm) =	ssettm $0x7FFFFFFF  }
tec
execute0_lowered:
.L_overlay_start_1:
0x0: {  	(tag) =	ssettag $0x1  }
0x1: {  	s0 =	rddreg [dreg:$0x0]  }
0x2: {  	s1 =	srdreg.scid;
	s8 =	stileid.u32  }
0x3: {  	s4 =	simm.s32 $0x0;
	s10 =	simm.s32 $0x32;
	s11 =	simm.s32 $0x7000  }
0x4: {  	s13 =	simm.s32 $0x7C80;
	s15 =	simm.s32 $0x8900;
	s17 =	simm.s32 $0x9580  }
0x5: {  	s19 =	simm.s32 $0xA200;
	s21 =	simm.s32 $0xAE80;
	s23 =	simm.s32 $0xBB00  }
0x6: {  	s28 =	simm.s32 $0xD400;
	s30 =	simm.s32 $0xE080;
	s12 =	simm.s32 $0xF980  }
0x7: {  	s16 =	simm.s32 $0x10600;
	s20 =	simm.s32 $0x11280;
	s24 =	simm.s32 $0x11F00  }
0x8: {  	s29 =	simm.s32 $0x12B80;
	s31 =	simm.s32 $0x1;
	s14 =	simm.s32 $0x80  }
0x9: {  	s18 =	simm.s32 $0x3;
	s22 =	simm.s32 $0x2;
	s1 =	sand.u32 $0x1, s1  }
0xa: {  	s2 =	sshll.u32 s8, $0xA;
	s8 =	smul.u32 $0xE0000, s8;
	s3 =	sshll.u32 s1, $0x9  }
0xb: {  	s5 =	ssub.s32 $0x2, s1;
	s1 =	smul.u32 $0x70000, s1;
	s2 =	sor.u32 s3, s2  }
0xc: {  	[smem:$0x7FF] =	sst s4;
	s6 =	sshrl.u32 s5, $0x1;
	s25 =	smul.u32 $0x7, s2  }
0xd: {  	_ =	strace $0x80000047;
	s2 =	smul.u32 $0x1C00, s2;
	s7 =	ssub.s32 s5, s6  }
0xe: {  	s3 =	sadd.s32 $0x1C800, s0;
	s26 =	smax.u32 s7, $0x1;
	s4 =	sadd.s32 s25, s0  }
0xf: {  	s0 =	sadd.s32 $0xDFE00, s0;
	s2 =	sshrl.u32 s2, $0x3;
	[dreg:$0x3] =	wrdreg s26  }
0x10: {  	s25 =	simm.s32 $0xC780;
	s26 =	simm.s32 $0x4;
	s4 =	sadd.s32 $0x800, s4  }
0x11: {  	s2 =	sadd.s32 s0, s2;
	s0 =	sadd.s32 s8, s0;
	[dreg:$0x2] =	wrdreg s4  }
0x12: {  	s5 =	sadd.s32 $0x6C800, s2;
	s6 =	sadd.s32 $0x6E400, s2;
	s8 =	sadd.s32 s1, s0  }
0x13: {  	s0 =	simm.s32 $0xED00;
	s1 =	simm.s32 $0x40;
	s4 =	simm.s32 $0x0  }
.LBB2_1:
0x14: {  	[dreg:$0x4] =	wrdreg s4  }
0x15: {  	s2 =	simm.s32 $0x0;
	s7 =	rddreg [dreg:$0x2];
	s9 =	simm.s32 $0x5  }
0x16: {  	[tilespmem:s2], [sflag:$0x5] =	stream.linear.gather [hbm4b:s7+s2], $0x7000, $0x38;
	[tilespmem:$0x13800] =	vst v63  }
0x17: {  	_ =	swait.ge [sflag:s9], $0x7000  }
0x18: {  	[sflag:s9] =	ssyncset.done $0x0  }
0x19: {  	[sflag:s9] =	ssyncadd.s32 $0xFFFF9000  }
0x1a: {  	[tilespmem:s11], [sflag:$0x1] =	stream.indirect.gather [hbm4b:s3+s10], $0x40, s2, s10, $0xb8;
	[tilespmem:$0x13800] =	vst v63  }
0x1b: {  	s4 =	simm.s32 $0x38  }
0x1c: {  	[tilespmem:s13], [sflag:$0x1] =	stream.indirect.gather [hbm4b:s3+s10], $0x40, s4, s10, $0xb8;
	[tilespmem:$0x13800] =	vst v63  }
0x1d: {  	s7 =	simm.s32 $0x70  }
0x1e: {  	[tilespmem:s15], [sflag:$0x1] =	stream.indirect.gather [hbm4b:s3+s10], $0x40, s7, s10, $0xb8;
	[tilespmem:$0x13800] =	vst v63  }
0x1f: {  	s9 =	simm.s32 $0xA8  }
0x20: {  	[tilespmem:s17], [sflag:$0x1] =	stream.indirect.gather [hbm4b:s3+s10], $0x40, s9, s10, $0xb8;
	[tilespmem:$0x13800] =	vst v63  }
0x21: {  	s4 =	simm.s32 $0xE0  }
0x22: {  	[tilespmem:s19], [sflag:$0x1] =	stream.indirect.gather [hbm4b:s3+s10], $0x40, s4, s10, $0xb8;
	[tilespmem:$0x13800] =	vst v63  }
0x23: {  	s7 =	simm.s32 $0x118  }
0x24: {  	[tilespmem:s21], [sflag:$0x1] =	stream.indirect.gather [hbm4b:s3+s10], $0x40, s7, s10, $0xb8;
	[tilespmem:$0x13800] =	vst v63  }
0x25: {  	s9 =	simm.s32 $0x150  }
0x26: {  	[tilespmem:s23], [sflag:$0x1] =	stream.indirect.gather [hbm4b:s3+s10], $0x40, s9, s10, $0xb8;
	[tilespmem:$0x13800] =	vst v63  }
0x27: {  	s4 =	simm.s32 $0x188  }
0x28: {  	[tilespmem:s25], [sflag:$0x1] =	stream.indirect.gather [hbm4b:s3+s10], $0x40, s4, s10, $0xb8;
	[tilespmem:$0x13800] =	vst v63  }
0x29: {  	s7 =	simm.s32 $0x1C0  }
0x2a: {  	[tilespmem:s28], [sflag:$0x2] =	stream.indirect.gather [hbm4b:s3+s10], $0x40, s7, s10, $0xb8;
	[tilespmem:$0x13800] =	vst v63  }
0x2b: {  	s9 =	simm.s32 $0x1F8  }
0x2c: {  	[tilespmem:s30], [sflag:$0x2] =	stream.indirect.gather [hbm4b:s3+s10], $0x40, s9, s10, $0xb8;
	[tilespmem:$0x13800] =	vst v63  }
0x2d: {  	s4 =	simm.s32 $0x230  }
0x2e: {  	[tilespmem:s0], [sflag:$0x2] =	stream.indirect.gather [hbm4b:s3+s10], $0x40, s4, s10, $0xb8;
	[tilespmem:$0x13800] =	vst v63  }
0x2f: {  	s7 =	simm.s32 $0x268  }
0x30: {  	[tilespmem:s12], [sflag:$0x2] =	stream.indirect.gather [hbm4b:s3+s10], $0x40, s7, s10, $0xb8;
	[tilespmem:$0x13800] =	vst v63  }
0x31: {  	s9 =	simm.s32 $0x2A0  }
0x32: {  	[tilespmem:s16], [sflag:$0x2] =	stream.indirect.gather [hbm4b:s3+s10], $0x40, s9, s10, $0xb8;
	[tilespmem:$0x13800] =	vst v63  }
0x33: {  	s4 =	simm.s32 $0x2D8  }
0x34: {  	[tilespmem:s20], [sflag:$0x2] =	stream.indirect.gather [hbm4b:s3+s10], $0x40, s4, s10, $0xb8;
	[tilespmem:$0x13800] =	vst v63  }
0x35: {  	s7 =	simm.s32 $0x310  }
0x36: {  	[tilespmem:s24], [sflag:$0x2] =	stream.indirect.gather [hbm4b:s3+s10], $0x40, s7, s10, $0xb8;
	[tilespmem:$0x13800] =	vst v63  }
0x37: {  	s9 =	simm.s32 $0x348  }
0x38: {  	[tilespmem:s29], [sflag:$0x2] =	stream.indirect.gather [hbm4b:s3+s10], $0x40, s9, s10, $0xb8;
	[tilespmem:$0x13800] =	vst v63  }
0x39: {  	_ =	swait.ge [sflag:s31], $0x6400  }
0x3a: {  	[sflag:s31] =	ssyncset.done $0x0  }
0x3b: {  	[sflag:s31] =	ssyncadd.s32 $0xFFFF9C00  }
0x3c: {  	[hbm4b:s8+s1] =	stream.strided.scatter [tilespmem:s11], [sflag:$0x3], $0xC80, s14, s1, $0x38;
	[tilespmem:$0x13800] =	vst v63  }
0x3d: {  	s2 =	sadd.s32 $0x380, s8  }
0x3e: {  	[hbm4b:s2+s1] =	stream.strided.scatter [tilespmem:s13], [sflag:$0x3], $0xC80, s14, s1, $0x38;
	[tilespmem:$0x13800] =	vst v63  }
0x3f: {  	s7 =	sadd.s32 $0x700, s8  }
0x40: {  	[hbm4b:s7+s1] =	stream.strided.scatter [tilespmem:s15], [sflag:$0x3], $0xC80, s14, s1, $0x38;
	[tilespmem:$0x13800] =	vst v63  }
0x41: {  	s9 =	sadd.s32 $0xA80, s8  }
0x42: {  	[hbm4b:s9+s1] =	stream.strided.scatter [tilespmem:s17], [sflag:$0x3], $0xC80, s14, s1, $0x38;
	[tilespmem:$0x13800] =	vst v63  }
0x43: {  	s2 =	sadd.s32 $0xE00, s8  }
0x44: {  	[hbm4b:s2+s1] =	stream.strided.scatter [tilespmem:s19], [sflag:$0x3], $0xC80, s14, s1, $0x38;
	[tilespmem:$0x13800] =	vst v63  }
0x45: {  	s7 =	sadd.s32 $0x1180, s8  }
0x46: {  	[hbm4b:s7+s1] =	stream.strided.scatter [tilespmem:s21], [sflag:$0x3], $0xC80, s14, s1, $0x38;
	[tilespmem:$0x13800] =	vst v63  }
0x47: {  	s9 =	sadd.s32 $0x1500, s8  }
0x48: {  	[hbm4b:s9+s1] =	stream.strided.scatter [tilespmem:s23], [sflag:$0x3], $0xC80, s14, s1, $0x38;
	[tilespmem:$0x13800] =	vst v63  }
0x49: {  	s2 =	sadd.s32 $0x1880, s8  }
0x4a: {  	[hbm4b:s2+s1] =	stream.strided.scatter [tilespmem:s25], [sflag:$0x3], $0xC80, s14, s1, $0x38;
	[tilespmem:$0x13800] =	vst v63  }
0x4b: {  	_ =	swait.ge [sflag:s18], $0x6400  }
0x4c: {  	[sflag:s18] =	ssyncset.done $0x0  }
0x4d: {  	s7 =	simm.s32 $0x380;
	[sflag:s18] =	ssyncadd.s32 $0xFFFF9C00  }
0x4e: {  	[tilespmem:s11], [sflag:$0x1] =	stream.indirect.gather [hbm4b:s3+s10], $0x40, s7, s10, $0xb8;
	[tilespmem:$0x13800] =	vst v63  }
0x4f: {  	s9 =	simm.s32 $0x3B8  }
0x50: {  	[tilespmem:s13], [sflag:$0x1] =	stream.indirect.gather [hbm4b:s3+s10], $0x40, s9, s10, $0xb8;
	[tilespmem:$0x13800] =	vst v63  }
0x51: {  	s2 =	simm.s32 $0x3F0  }
0x52: {  	[tilespmem:s15], [sflag:$0x1] =	stream.indirect.gather [hbm4b:s3+s10], $0x40, s2, s10, $0xb8;
	[tilespmem:$0x13800] =	vst v63  }
0x53: {  	s7 =	simm.s32 $0x428  }
0x54: {  	[tilespmem:s17], [sflag:$0x1] =	stream.indirect.gather [hbm4b:s3+s10], $0x40, s7, s10, $0xb8;
	[tilespmem:$0x13800] =	vst v63  }
0x55: {  	s9 =	simm.s32 $0x460  }
0x56: {  	[tilespmem:s19], [sflag:$0x1] =	stream.indirect.gather [hbm4b:s3+s10], $0x40, s9, s10, $0xb8;
	[tilespmem:$0x13800] =	vst v63  }
0x57: {  	s2 =	simm.s32 $0x498  }
0x58: {  	[tilespmem:s21], [sflag:$0x1] =	stream.indirect.gather [hbm4b:s3+s10], $0x40, s2, s10, $0xb8;
	[tilespmem:$0x13800] =	vst v63  }
0x59: {  	s7 =	simm.s32 $0x4D0  }
0x5a: {  	[tilespmem:s23], [sflag:$0x1] =	stream.indirect.gather [hbm4b:s3+s10], $0x40, s7, s10, $0xb8;
	[tilespmem:$0x13800] =	vst v63  }
0x5b: {  	s9 =	simm.s32 $0x508  }
0x5c: {  	[tilespmem:s25], [sflag:$0x1] =	stream.indirect.gather [hbm4b:s3+s10], $0x40, s9, s10, $0xb8;
	[tilespmem:$0x13800] =	vst v63  }
0x5d: {  	_ =	swait.ge [sflag:s22], $0x6400  }
0x5e: {  	[sflag:s22] =	ssyncset.done $0x0  }
0x5f: {  	s2 =	sadd.s32 $0x1C00, s8;
	[sflag:s22] =	ssyncadd.s32 $0xFFFF9C00  }
0x60: {  	[hbm4b:s2+s1] =	stream.strided.scatter [tilespmem:s28], [sflag:$0x4], $0xC80, s14, s1, $0x38;
	[tilespmem:$0x13800] =	vst v63  }
0x61: {  	s7 =	sadd.s32 $0x1F80, s8  }
0x62: {  	[hbm4b:s7+s1] =	stream.strided.scatter [tilespmem:s30], [sflag:$0x4], $0xC80, s14, s1, $0x38;
	[tilespmem:$0x13800] =	vst v63  }
0x63: {  	s9 =	sadd.s32 $0x2300, s8  }
0x64: {  	[hbm4b:s9+s1] =	stream.strided.scatter [tilespmem:s0], [sflag:$0x4], $0xC80, s14, s1, $0x38;
	[tilespmem:$0x13800] =	vst v63  }
0x65: {  	s2 =	sadd.s32 $0x2680, s8  }
0x66: {  	[hbm4b:s2+s1] =	stream.strided.scatter [tilespmem:s12], [sflag:$0x4], $0xC80, s14, s1, $0x38;
	[tilespmem:$0x13800] =	vst v63  }
0x67: {  	s7 =	sadd.s32 $0x2A00, s8  }
0x68: {  	[hbm4b:s7+s1] =	stream.strided.scatter [tilespmem:s16], [sflag:$0x4], $0xC80, s14, s1, $0x38;
	[tilespmem:$0x13800] =	vst v63  }
0x69: {  	s9 =	sadd.s32 $0x2D80, s8  }
0x6a: {  	[hbm4b:s9+s1] =	stream.strided.scatter [tilespmem:s20], [sflag:$0x4], $0xC80, s14, s1, $0x38;
	[tilespmem:$0x13800] =	vst v63  }
0x6b: {  	s2 =	sadd.s32 $0x3100, s8  }
0x6c: {  	[hbm4b:s2+s1] =	stream.strided.scatter [tilespmem:s24], [sflag:$0x4], $0xC80, s14, s1, $0x38;
	[tilespmem:$0x13800] =	vst v63  }
0x6d: {  	s7 =	sadd.s32 $0x3480, s8  }
0x6e: {  	[hbm4b:s7+s1] =	stream.strided.scatter [tilespmem:s29], [sflag:$0x4], $0xC80, s14, s1, $0x38;
	[tilespmem:$0x13800] =	vst v63  }
0x6f: {  	_ =	swait.ge [sflag:s26], $0x6400  }
0x70: {  	[sflag:s26] =	ssyncset.done $0x0  }
0x71: {  	s9 =	simm.s32 $0x540;
	[sflag:s26] =	ssyncadd.s32 $0xFFFF9C00  }
0x72: {  	[tilespmem:s28], [sflag:$0x2] =	stream.indirect.gather [hbm4b:s3+s10], $0x40, s9, s10, $0xb8;
	[tilespmem:$0x13800] =	vst v63  }
0x73: {  	s2 =	simm.s32 $0x578  }
0x74: {  	[tilespmem:s30], [sflag:$0x2] =	stream.indirect.gather [hbm4b:s3+s10], $0x40, s2, s10, $0xb8;
	[tilespmem:$0x13800] =	vst v63  }
0x75: {  	s7 =	simm.s32 $0x5B0  }
0x76: {  	[tilespmem:s0], [sflag:$0x2] =	stream.indirect.gather [hbm4b:s3+s10], $0x40, s7, s10, $0xb8;
	[tilespmem:$0x13800] =	vst v63  }
0x77: {  	s9 =	simm.s32 $0x5E8  }
0x78: {  	[tilespmem:s12], [sflag:$0x2] =	stream.indirect.gather [hbm4b:s3+s10], $0x40, s9, s10, $0xb8;
	[tilespmem:$0x13800] =	vst v63  }
0x79: {  	s2 =	simm.s32 $0x620  }
0x7a: {  	[tilespmem:s16], [sflag:$0x2] =	stream.indirect.gather [hbm4b:s3+s10], $0x40, s2, s10, $0xb8;
	[tilespmem:$0x13800] =	vst v63  }
0x7b: {  	s7 =	simm.s32 $0x658  }
0x7c: {  	[tilespmem:s20], [sflag:$0x2] =	stream.indirect.gather [hbm4b:s3+s10], $0x40, s7, s10, $0xb8;
	[tilespmem:$0x13800] =	vst v63  }
0x7d: {  	s9 =	simm.s32 $0x690  }
0x7e: {  	[tilespmem:s24], [sflag:$0x2] =	stream.indirect.gather [hbm4b:s3+s10], $0x40, s9, s10, $0xb8;
	[tilespmem:$0x13800] =	vst v63  }
0x7f: {  	s4 =	simm.s32 $0xE00;
	s7 =	sadd.s32 $0x3800, s8;
	s9 =	simm.s32 $0x6C8  }
.LBB2_2:
0x80: {  	[tilespmem:s29], [sflag:$0x2] =	stream.indirect.gather [hbm4b:s3+s10], $0x40, s9, s10, $0xb8;
	[tilespmem:$0x13800] =	vst v63  }
0x81: {  	s9 =	smov.u32 s4  }
0x82: {  	p0 =	sne.s32 s4, $0x1A400;
	s4 =	sadd.s32 $0xE00, s4;
	_ =	swait.ge [sflag:s31], $0x6400  }
0x83: {  	[sflag:s31] =	ssyncset.done $0x0  }
0x84: {  	[sflag:s31] =	ssyncadd.s32 $0xFFFF9C00  }
0x85: {  	[hbm4b:s7+s1] =	stream.strided.scatter [tilespmem:s11], [sflag:$0x3], $0xC80, s14, s1, $0x38;
	[tilespmem:$0x13800] =	vst v63  }
0x86: {  	s2 =	sadd.s32 $0x380, s7  }
0x87: {  	[hbm4b:s2+s1] =	stream.strided.scatter [tilespmem:s13], [sflag:$0x3], $0xC80, s14, s1, $0x38;
	[tilespmem:$0x13800] =	vst v63  }
0x88: {  	s2 =	sadd.s32 $0x700, s7  }
0x89: {  	[hbm4b:s2+s1] =	stream.strided.scatter [tilespmem:s15], [sflag:$0x3], $0xC80, s14, s1, $0x38;
	[tilespmem:$0x13800] =	vst v63  }
0x8a: {  	s2 =	sadd.s32 $0xA80, s7  }
0x8b: {  	[hbm4b:s2+s1] =	stream.strided.scatter [tilespmem:s17], [sflag:$0x3], $0xC80, s14, s1, $0x38;
	[tilespmem:$0x13800] =	vst v63  }
0x8c: {  	s2 =	sadd.s32 $0xE00, s7  }
0x8d: {  	[hbm4b:s2+s1] =	stream.strided.scatter [tilespmem:s19], [sflag:$0x3], $0xC80, s14, s1, $0x38;
	[tilespmem:$0x13800] =	vst v63  }
0x8e: {  	s2 =	sadd.s32 $0x1180, s7  }
0x8f: {  	[hbm4b:s2+s1] =	stream.strided.scatter [tilespmem:s21], [sflag:$0x3], $0xC80, s14, s1, $0x38;
	[tilespmem:$0x13800] =	vst v63  }
0x90: {  	s2 =	sadd.s32 $0x1500, s7  }
0x91: {  	[hbm4b:s2+s1] =	stream.strided.scatter [tilespmem:s23], [sflag:$0x3], $0xC80, s14, s1, $0x38;
	[tilespmem:$0x13800] =	vst v63  }
0x92: {  	s2 =	sadd.s32 $0x1880, s7  }
0x93: {  	[hbm4b:s2+s1] =	stream.strided.scatter [tilespmem:s25], [sflag:$0x3], $0xC80, s14, s1, $0x38;
	[tilespmem:$0x13800] =	vst v63  }
0x94: {  	_ =	swait.ge [sflag:s18], $0x6400  }
0x95: {  	s9 =	sshra.s32 s9, $0x2;
	[sflag:s18] =	ssyncset.done $0x0  }
0x96: {  	s2 =	sadd.s32 $0x380, s9;
	[sflag:s18] =	ssyncadd.s32 $0xFFFF9C00  }
0x97: {  	[tilespmem:s11], [sflag:$0x1] =	stream.indirect.gather [hbm4b:s3+s10], $0x40, s2, s10, $0xb8;
	[tilespmem:$0x13800] =	vst v63  }
0x98: {  	s2 =	sadd.s32 $0x3B8, s9  }
0x99: {  	[tilespmem:s13], [sflag:$0x1] =	stream.indirect.gather [hbm4b:s3+s10], $0x40, s2, s10, $0xb8;
	[tilespmem:$0x13800] =	vst v63  }
0x9a: {  	s2 =	sadd.s32 $0x3F0, s9  }
0x9b: {  	[tilespmem:s15], [sflag:$0x1] =	stream.indirect.gather [hbm4b:s3+s10], $0x40, s2, s10, $0xb8;
	[tilespmem:$0x13800] =	vst v63  }
0x9c: {  	s2 =	sadd.s32 $0x428, s9  }
0x9d: {  	[tilespmem:s17], [sflag:$0x1] =	stream.indirect.gather [hbm4b:s3+s10], $0x40, s2, s10, $0xb8;
	[tilespmem:$0x13800] =	vst v63  }
0x9e: {  	s2 =	sadd.s32 $0x460, s9  }
0x9f: {  	[tilespmem:s19], [sflag:$0x1] =	stream.indirect.gather [hbm4b:s3+s10], $0x40, s2, s10, $0xb8;
	[tilespmem:$0x13800] =	vst v63  }
0xa0: {  	s2 =	sadd.s32 $0x498, s9  }
0xa1: {  	[tilespmem:s21], [sflag:$0x1] =	stream.indirect.gather [hbm4b:s3+s10], $0x40, s2, s10, $0xb8;
	[tilespmem:$0x13800] =	vst v63  }
0xa2: {  	s2 =	sadd.s32 $0x4D0, s9  }
0xa3: {  	[tilespmem:s23], [sflag:$0x1] =	stream.indirect.gather [hbm4b:s3+s10], $0x40, s2, s10, $0xb8;
	[tilespmem:$0x13800] =	vst v63  }
0xa4: {  	s2 =	sadd.s32 $0x508, s9  }
0xa5: {  	[tilespmem:s25], [sflag:$0x1] =	stream.indirect.gather [hbm4b:s3+s10], $0x40, s2, s10, $0xb8;
	[tilespmem:$0x13800] =	vst v63  }
0xa6: {  	_ =	swait.ge [sflag:s22], $0x6400  }
0xa7: {  	[sflag:s22] =	ssyncset.done $0x0  }
0xa8: {  	s2 =	sadd.s32 $0x1C00, s7;
	[sflag:s22] =	ssyncadd.s32 $0xFFFF9C00  }
0xa9: {  	[hbm4b:s2+s1] =	stream.strided.scatter [tilespmem:s28], [sflag:$0x4], $0xC80, s14, s1, $0x38;
	[tilespmem:$0x13800] =	vst v63  }
0xaa: {  	s2 =	sadd.s32 $0x1F80, s7  }
0xab: {  	[hbm4b:s2+s1] =	stream.strided.scatter [tilespmem:s30], [sflag:$0x4], $0xC80, s14, s1, $0x38;
	[tilespmem:$0x13800] =	vst v63  }
0xac: {  	s2 =	sadd.s32 $0x2300, s7  }
0xad: {  	[hbm4b:s2+s1] =	stream.strided.scatter [tilespmem:s0], [sflag:$0x4], $0xC80, s14, s1, $0x38;
	[tilespmem:$0x13800] =	vst v63  }
0xae: {  	s2 =	sadd.s32 $0x2680, s7  }
0xaf: {  	[hbm4b:s2+s1] =	stream.strided.scatter [tilespmem:s12], [sflag:$0x4], $0xC80, s14, s1, $0x38;
	[tilespmem:$0x13800] =	vst v63  }
0xb0: {  	s2 =	sadd.s32 $0x2A00, s7  }
0xb1: {  	[hbm4b:s2+s1] =	stream.strided.scatter [tilespmem:s16], [sflag:$0x4], $0xC80, s14, s1, $0x38;
	[tilespmem:$0x13800] =	vst v63  }
0xb2: {  	s2 =	sadd.s32 $0x2D80, s7  }
0xb3: {  	[hbm4b:s2+s1] =	stream.strided.scatter [tilespmem:s20], [sflag:$0x4], $0xC80, s14, s1, $0x38;
	[tilespmem:$0x13800] =	vst v63  }
0xb4: {  	s2 =	sadd.s32 $0x3100, s7  }
0xb5: {  	[hbm4b:s2+s1] =	stream.strided.scatter [tilespmem:s24], [sflag:$0x4], $0xC80, s14, s1, $0x38;
	[tilespmem:$0x13800] =	vst v63  }
0xb6: {  	s2 =	sadd.s32 $0x3480, s7  }
0xb7: {  	[hbm4b:s2+s1] =	stream.strided.scatter [tilespmem:s29], [sflag:$0x4], $0xC80, s14, s1, $0x38;
	[tilespmem:$0x13800] =	vst v63  }
0xb8: {  	_ =	swait.ge [sflag:s26], $0x6400  }
0xb9: {  	[sflag:s26] =	ssyncset.done $0x0  }
0xba: {  	s2 =	sadd.s32 $0x540, s9;
	[sflag:s26] =	ssyncadd.s32 $0xFFFF9C00  }
0xbb: {  	[tilespmem:s28], [sflag:$0x2] =	stream.indirect.gather [hbm4b:s3+s10], $0x40, s2, s10, $0xb8;
	[tilespmem:$0x13800] =	vst v63  }
0xbc: {  	s2 =	sadd.s32 $0x578, s9  }
0xbd: {  	[tilespmem:s30], [sflag:$0x2] =	stream.indirect.gather [hbm4b:s3+s10], $0x40, s2, s10, $0xb8;
	[tilespmem:$0x13800] =	vst v63  }
0xbe: {  	s2 =	sadd.s32 $0x5B0, s9  }
0xbf: {  	[tilespmem:s0], [sflag:$0x2] =	stream.indirect.gather [hbm4b:s3+s10], $0x40, s2, s10, $0xb8;
	[tilespmem:$0x13800] =	vst v63  }
0xc0: {  	s2 =	sadd.s32 $0x5E8, s9  }
0xc1: {  	[tilespmem:s12], [sflag:$0x2] =	stream.indirect.gather [hbm4b:s3+s10], $0x40, s2, s10, $0xb8;
	[tilespmem:$0x13800] =	vst v63  }
0xc2: {  	s2 =	sadd.s32 $0x620, s9  }
0xc3: {  	[tilespmem:s16], [sflag:$0x2] =	stream.indirect.gather [hbm4b:s3+s10], $0x40, s2, s10, $0xb8;
	[tilespmem:$0x13800] =	vst v63  }
.Ltmp0:
0xc4: {  	s2 =	sadd.s32 $0x658, s9;
	(pc) =	sbr.rel @p0 .LBB2_2-.Ltmp0, $4  }
0xc5: {  	[tilespmem:s20], [sflag:$0x2] =	stream.indirect.gather [hbm4b:s3+s10], $0x40, s2, s10, $0xb8;
	[tilespmem:$0x13800] =	vst v63  }
0xc6: {  	s2 =	sadd.s32 $0x690, s9  }
0xc7: {  	[tilespmem:s24], [sflag:$0x2] =	stream.indirect.gather [hbm4b:s3+s10], $0x40, s2, s10, $0xb8;
	[tilespmem:$0x13800] =	vst v63  }
0xc8: {  	s7 =	sadd.s32 $0x3800, s7;
	s9 =	sadd.s32 $0x6C8, s9  }
0xc9: {  	[tilespmem:s29], [sflag:$0x2] =	stream.indirect.gather [hbm4b:s3+s10], $0x40, s9, s10, $0xb8;
	[tilespmem:$0x13800] =	vst v63  }
0xca: {  	_ =	swait.ge [sflag:s31], $0x6400  }
0xcb: {  	[sflag:s31] =	ssyncset.done $0x0  }
0xcc: {  	[sflag:s31] =	ssyncadd.s32 $0xFFFF9C00  }
0xcd: {  	[hbm4b:s5+s1] =	stream.strided.scatter [tilespmem:s11], [sflag:$0x3], $0xC80, s14, s1, $0x38;
	[tilespmem:$0x13800] =	vst v63  }
0xce: {  	s2 =	sadd.s32 $0x380, s5  }
0xcf: {  	[hbm4b:s2+s1] =	stream.strided.scatter [tilespmem:s13], [sflag:$0x3], $0xC80, s14, s1, $0x38;
	[tilespmem:$0x13800] =	vst v63  }
0xd0: {  	s7 =	sadd.s32 $0x700, s5  }
0xd1: {  	[hbm4b:s7+s1] =	stream.strided.scatter [tilespmem:s15], [sflag:$0x3], $0xC80, s14, s1, $0x38;
	[tilespmem:$0x13800] =	vst v63  }
0xd2: {  	s9 =	sadd.s32 $0xA80, s5  }
0xd3: {  	[hbm4b:s9+s1] =	stream.strided.scatter [tilespmem:s17], [sflag:$0x3], $0xC80, s14, s1, $0x38;
	[tilespmem:$0x13800] =	vst v63  }
0xd4: {  	s4 =	sadd.s32 $0xE00, s5  }
0xd5: {  	[hbm4b:s4+s1] =	stream.strided.scatter [tilespmem:s19], [sflag:$0x3], $0xC80, s14, s1, $0x38;
	[tilespmem:$0x13800] =	vst v63  }
0xd6: {  	s7 =	sadd.s32 $0x1180, s5  }
0xd7: {  	[hbm4b:s7+s1] =	stream.strided.scatter [tilespmem:s21], [sflag:$0x3], $0xC80, s14, s1, $0x38;
	[tilespmem:$0x13800] =	vst v63  }
0xd8: {  	s9 =	sadd.s32 $0x1500, s5  }
0xd9: {  	[hbm4b:s9+s1] =	stream.strided.scatter [tilespmem:s23], [sflag:$0x3], $0xC80, s14, s1, $0x38;
	[tilespmem:$0x13800] =	vst v63  }
0xda: {  	s4 =	sadd.s32 $0x1880, s5  }
0xdb: {  	[hbm4b:s4+s1] =	stream.strided.scatter [tilespmem:s25], [sflag:$0x3], $0xC80, s14, s1, $0x38;
	[tilespmem:$0x13800] =	vst v63  }
0xdc: {  	_ =	swait.ge [sflag:s18], $0x6400  }
0xdd: {  	[sflag:s18] =	ssyncset.done $0x0  }
0xde: {  	[sflag:s18] =	ssyncadd.s32 $0xFFFF9C00  }
0xdf: {  	_ =	swait.ge [sflag:s22], $0x6400  }
0xe0: {  	[sflag:s22] =	ssyncset.done $0x0  }
0xe1: {  	[sflag:s22] =	ssyncadd.s32 $0xFFFF9C00  }
0xe2: {  	[hbm4b:s6+s1] =	stream.strided.scatter [tilespmem:s28], [sflag:$0x4], $0xC80, s14, s1, $0x38;
	[tilespmem:$0x13800] =	vst v63  }
0xe3: {  	s7 =	sadd.s32 $0x380, s6  }
0xe4: {  	[hbm4b:s7+s1] =	stream.strided.scatter [tilespmem:s30], [sflag:$0x4], $0xC80, s14, s1, $0x38;
	[tilespmem:$0x13800] =	vst v63  }
0xe5: {  	s9 =	sadd.s32 $0x700, s6  }
0xe6: {  	[hbm4b:s9+s1] =	stream.strided.scatter [tilespmem:s0], [sflag:$0x4], $0xC80, s14, s1, $0x38;
	[tilespmem:$0x13800] =	vst v63  }
0xe7: {  	s4 =	sadd.s32 $0xA80, s6  }
0xe8: {  	[hbm4b:s4+s1] =	stream.strided.scatter [tilespmem:s12], [sflag:$0x4], $0xC80, s14, s1, $0x38;
	[tilespmem:$0x13800] =	vst v63  }
0xe9: {  	s7 =	sadd.s32 $0xE00, s6  }
0xea: {  	[hbm4b:s7+s1] =	stream.strided.scatter [tilespmem:s16], [sflag:$0x4], $0xC80, s14, s1, $0x38;
	[tilespmem:$0x13800] =	vst v63  }
0xeb: {  	s9 =	sadd.s32 $0x1180, s6  }
0xec: {  	[hbm4b:s9+s1] =	stream.strided.scatter [tilespmem:s20], [sflag:$0x4], $0xC80, s14, s1, $0x38;
	[tilespmem:$0x13800] =	vst v63  }
0xed: {  	s4 =	sadd.s32 $0x1500, s6  }
0xee: {  	[hbm4b:s4+s1] =	stream.strided.scatter [tilespmem:s24], [sflag:$0x4], $0xC80, s14, s1, $0x38;
	[tilespmem:$0x13800] =	vst v63  }
0xef: {  	s7 =	sadd.s32 $0x1880, s6  }
0xf0: {  	[hbm4b:s7+s1] =	stream.strided.scatter [tilespmem:s29], [sflag:$0x4], $0xC80, s14, s1, $0x38;
	[tilespmem:$0x13800] =	vst v63  }
0xf1: {  	_ =	swait.ge [sflag:s26], $0x6400  }
0xf2: {  	s4 =	rddreg [dreg:$0x4]  }
0xf3: {  	s9 =	rddreg [dreg:$0x3];
	s4 =	sadd.s32 $0x1, s4  }
0xf4: {  	p0 =	sne.s32 s4, s9  }
.Ltmp1:
0xf5: {  	_ = 	snop;
	(pc) =	sbr.rel @p0 .LBB2_1-.Ltmp1, $3  }
0xf6: {  	_ =	sdelay $0x1  }
0xf7: {  	[sflag:s26] =	ssyncset.done $0x0  }
0xf8: {  	[sflag:s26] =	ssyncadd.s32 $0xFFFF9C00  }
0xf9: {  	_ =	sfence.sel $0x180000  }
0xfa: {  	[bflag:$0x0] =	sbarrier.arrive $0xFFFF  }
0xfb: {  	_ =	strace $0x90000047  }
0xfc: {  	s0 =	stileid.u32;
	[bflag:$0x2] =	sbarrier.arrive $0xFFFF  }
0xfd: {  	p0 =	sne.s32 s0, $0x0;
	s0 =	rddreg [dreg:$0x1]  }
0xfe: {  	s0 =	sadd.s32 @!p0 $0x100000, s0  }
0xff: {  	[sflag:s0] =	ssyncadd.tile.s32 @!p0 $0x1;
	_ =	shalt  }
.Lfunc_end2:
_tile_overlayer_lowered:
.L_overlay_start_2:
0x100: {  	(tag) =	ssettag $0x2  }
0x101: {  	s0 =	rddreg [dreg:$0x0];
	s2 =	stileid.u32  }
0x102: {  	s1 =	rddreg [dreg:$0x1];
	p0 =	sne.s32 s2, $0x0  }
0x103: {  	s3 =	rddreg [dreg:$0x2];
	[bflag:$0x3] =	sbarrier.arrive $0xFFFF;
	s2 =	simm.s32 @!p0 $0x1C05  }
0x104: {  	[timem:s3], [sflag:s2] =	dma.local @!p0 [hbm:s0], s1  }
0x105: {  	s0 =	simm.s32 @!p0 $0x5  }
0x106: {  	_ =	swait.ge @!p0 [sflag:s0], s1  }
0x107: {  	s1 =	ssub.s32 @!p0 $0x0, s1;
	[sflag:s0] =	ssyncset.done @!p0 $0x0  }
0x108: {  	[sflag:s0] =	ssyncadd.s32 @!p0 s1  }
0x109: {  	[bflag:$0x3] =	sbarrier.arrive $0xFFFF  }
0x10a: {  	_ =	shalt  }

// kernel: sparse-core-data-format-call.cloned.1.call-start
scs
called_computation_lowered:
.L_overlay_start_0:
0x0: {  	s2 =	sld [smem:$0x3FD9]  }
0x1: {  	s3 =	sld [smem:$0x3FFE];
	_ =	sdelay $0x1  }
0x2: {  	s1 =	srdreg.scid  }
0x3: {  	s0 =	sand.u32 $0x1, s1  }
0x4: {  	s18 =	sshll.u32 s0, $0xA;
	s2 =	sadd.s32 s3, s2  }
0x5: {  	s2 =	sadd.s32 s2, s18  }
0x6: {  	[smem:$0x3FC6] =	sst s2  }
0x7: {  	_ = 	snop  }
0x8: {  	s2 =	sld [smem:$0x3FD0];
	(tm) =	ssettm $0x1  }
0x9: {  	s19 =	sld [smem:$0x3FFB];
	_ =	sdelay $0x3  }
0xa: {  	_ =	strace s19  }
0xb: {  	s3 =	sld [smem:$0x3FFC];
	_ =	sdelay $0x3  }
0xc: {  	_ =	strace s3  }
0xd: {  	s3 =	sld [smem:$0x3FFD];
	_ =	sdelay $0x3  }
0xe: {  	_ =	strace s3  }
0xf: {  	_ =	strace $0x8FFFFFFF  }
0x10: {  	s20 =	sld [smem:$0x3FDB];
	_ =	sdelay $0x1  }
0x11: {  	s4 =	simm.s32 $_scs_section_size  }
0x12: {  	s5 =	simm.s32 $_size__tile_overlayer_lowered;
	s6 =	simm.s32 $_tile_overlayer_lowered  }
0x13: {  	s23 =	simm.s32 $0x1BFF;
	s22 =	sshll.u32 s6, $0x1;
	s3 =	sadd.s32 s4, s20  }
0x14: {  	s7 =	simm.s32 $0x0;
	s21 =	sshll.u32 s5, $0x1;
	s5 =	sadd.s32 s22, s3  }
0x15: {  	[timem:s7], [sflag:s23] =	dma.local [hbm:s5], s21  }
0x16: {  	_ =	swait.ge [sflag:s23], s21  }
0x17: {  	s4 =	ssub.s32 $0x0, s21;
	[sflag:s23] =	ssyncset.done $0x0  }
0x18: {  	[sflag:s23] =	ssyncadd.s32 s4;
	_ =	sdelay $0x1  }
0x19: {  	s24 =	simm.s32 $0x1B8B  }
0x1a: {  	_ =	swait.ge [sflag:s24], $0x1  }
0x1b: {  	[sflag:s24] =	ssyncset.done $0x0  }
0x1c: {  	s26 =	simm.s32 $0x1B8E;
	s25 =	sld [smem:$0x3FFE];
	[sflag:s24] =	ssyncadd.s32 $0xFFFFFFFF  }
0x1d: {  	s27 =	simm.s32 $execute0_lowered;
	[smem:$0x3FD2] =	sst s26  }
0x1e: {  	s5 =	sshll.u32 s27, $0x1;
	_ =	strace $0x80000049;
	[dreg:$0x1] =	wrdreg $0xFFFFFFFF  }
0x1f: {  	s28 =	simm.s32 $_size_execute0_lowered;
	s3 =	sadd.s32 s3, s5;
	[dreg:$0x0] =	wrdreg $0x0  }
0x20: {  	s5 =	sshll.u32 s28, $0x1;
	[dreg:$0x2] =	wrdreg s3  }
0x21: {  	[dreg:$0x3] =	wrdreg s5  }
0x22: {  	[dreg:$0x4] =	wrdreg $0xC0  }
0x23: {  	_ =	task [dreg:s7], $0x5FFFF  }
0x24: {  	[dreg:$0x1] =	wrdreg $0xFFFFFFFF  }
0x25: {  	[dreg:$0x0] =	wrdreg $0x60  }
0x26: {  	[dreg:$0x2] =	wrdreg s25  }
0x27: {  	[dreg:$0x3] =	wrdreg s2  }
0x28: {  	[dreg:$0x4] =	wrdreg $0x9  }
0x29: {  	_ =	task.clear_ibuf [dreg:s7], $0x5FFFF;
	_ =	strace $0x90000049  }
0x2a: {  	s29 =	simm.s32 $0x9;
	_ =	strace $0x8000004B  }
0x2b: {  	_ =	swait.ge [sflag:s29], $0x1  }
0x2c: {  	[sflag:s29] =	ssyncadd.s32 $0xFFFFFFFF  }
0x2d: {  	_ =	strace $0x9000004B  }
0x2e: {  	_ =	sfence  }
0x2f: {  	s30 =	sld [smem:$0x0];
	_ =	sdelay $0x2  }
0x30: {  	s31 =	sshll.u32 s1, $0xD;
	s1 =	sshrl.u32 s1, $0x2  }
0x31: {  	s3 =	sand.u32 $0x4000, s31;
	s1 =	sadd.s32 s1, s30  }
0x32: {  	s0 =	sor.u32 s3, s0;
	s1 =	sshll.u32 s1, $0x11  }
0x33: {  	s0 =	sor.u32 s1, s0  }
0x34: {  	s0 =	sadd.s32 $0x8F2B, s0  }
0x35: {  	[sflag:s0] =	ssyncadd.remote.s32 $0x1  }
0x36: {  	_ =	sfence.sel $0xFFFF  }
0x37: {  	[dreg:$0x0] =	wrdreg $0xFFFFFFFF;
	(pc) =	sbr.abs _section_cstart, $3  }
0x38: {  	[dreg:$0x1] =	wrdreg $0xFFFFFFFF  }
0x39: {  	_ =	task.clear_ibuf [dreg:s7], $0x2FFFF;
	_ =	strace $0x9FFFFFFF  }
0x3a: {  	(tm) =	ssettm $0x7FFFFFFF  }
0x3b: {  	_ =	shalt  }
tec
execute0_lowered:
.L_overlay_start_1:
0x0: {  	(tag) =	ssettag $0x1  }
0x1: {  	s0 =	srdreg.scid  }
0x2: {  	s1 =	sshll.u32 s0, $0x4  }
0x3: {  	s0 =	stileid.u32;
	s1 =	sand.u32 $0x10, s1  }
0x4: {  	s1 =	sor.u32 s0, s1  }
0x5: {  	s6 =	rddreg [dreg:$0x0];
	s4 =	simm.s32 $0x1;
	s2 =	sshll.u32 s1, $0x7  }
0x6: {  	s7 =	simm.s32 $0x2;
	s12 =	simm.s32 $0x0;
	s1 =	ssub.s32 $0x4000, s2  }
0x7: {  	s8 =	simm.s32 $0x20000;
	s13 =	simm.s32 $0x0;
	s3 =	sand.u32 $0xF80, s1  }
0x8: {  	s9 =	simm.s32 $0x0;
	s5 =	sshrl.u32 s1, $0xC;
	p0 =	sne.s32 s3, $0x0  }
.Ltmp0:
0x9: {  	s1 =	rddreg [dreg:$0x2];
	s4 =	simm.s32 @!p0 $0x0;
	(pc) =	sbr.rel .LBB1_1-.Ltmp0, $4  }
0xa: {  	s11 =	simm.s32 $0x0;
	s3 =	rddreg [dreg:$0x1];
	s5 =	sadd.s32 s4, s5  }
0xb: {  	_ =	strace $0x8000004A;
	s4 =	simm.s32 $0x1;
	s5 =	smul.u32 $0x32, s5  }
0xc: {  	s6 =	sadd.s32 $0xDFE00, s6;
	s10 =	smov.u32 s2;
	[sflag:s4] =	ssyncpa.u1 $0x0  }
0xd: {  	p0 =	por $0x0, $0x0;
	[sflag:s7] =	ssyncpa.u1 $0x0;
	s7 =	sor.u32 $0x1, s5  }
.LBB1_4:
0xe: {  	s16 =	sshll.u32 s13, $0x3;
	s17 =	sand.u32 $0x78, s13  }
0xf: {  	s30 =	sand.u32 $0x1F800, s13;
	s12 =	sshll.u32 s12, $0x11;
	s16 =	sand.u32 $0x3C00, s16  }
0x10: {  	[tilespmem:s15+$0x810 ss:$0x81] =	vst.msk $0xffff, v2;
	s31 =	sand.u32 $0x7, s13;
	s16 =	sor.u32 s17, s16;
	s17 =	sadd.s32 s3, s30  }
0x11: {  	[tilespmem:s15+$0x1020 ss:$0x81] =	vst.msk $0xffff, v0;
	s13 =	sshll.u32 s31, $0x12;
	s12 =	sadd.s32 s12, s17;
	s16 =	sshrl.u32 s16, $0x3  }
0x12: {  	[tilespmem:s15+$0x0 ss:$0x81] =	vst.msk $0xffff, v1;
	s13 =	sor.u32 $0x400, s13;
	s12 =	sadd.s32 s16, s12  }
0x13: {  	[hbm4b:s12+s13] =	stream.strided.scatter [tilespmem:s14], [sflag:$0x2], $0x2000, s8, s13, $0x20;
	[tilespmem:$0x8080] =	vst v63  }
.LBB1_5:
0x14: {  	s14 =	sadd.s32 $0x1, s9  }
0x15: {  	s12 =	sadd.s32 $0x1000, s10;
	s16 =	smov.u32 s10;
	p2 =	sgt.s32 s14, $0x31  }
0x16: {  	s16 =	smov.u32 @p2 s12  }
0x17: {  	s14 =	simm.s32 @p2 $0x0;
	p2 =	sgt.s32 s16, $0x3FFF  }
0x18: {  	s16 =	smov.u32 @p2 s2;
	p2 =	sne.s32 s11, s7  }
.Ltmp1:
0x19: {  	p1 =	slt.u32 s11, $0x2;
	(pc) =	sbr.rel @!p2 .LBB1_6-.Ltmp1, $4  }
0x1a: {  	s15 =	simm.s32 @!p1 $0x2  }
0x1b: {  	s13 =	smov.u32 s10;
	p0 =	por !p0, !p0;
	_ =	swait.ge @!p1 [sflag:s15], $0x2000  }
0x1c: {  	s12 =	smov.u32 s9;
	[sflag:s15] =	ssyncset.done @!p1 $0x0;
	s9 =	smov.u32 s14  }
0x1d: {  	s11 =	sadd.s32 $0x1, s11;
	[sflag:s15] =	ssyncadd.s32 @!p1 $0xFFFFE000;
	s10 =	smov.u32 s16  }
.LBB1_1:
0x1e: {  	p1 =	sge.u32 s11, s5  }
0x1f: {  	s14 =	sand.u32 @!p1 $0x1FFFFFF, s9  }
0x20: {  	s15 =	smulhi.u32 @!p1 $0x4924925, s14;
	_ =	sdelay $0x1  }
0x21: {  	s15 =	smul.u32 @!p1 $0x38, s15  }
0x22: {  	s16 =	sxor.u32 @!p1 $0xFFFFFFFF, s11;
	s17 =	smul.u32 @!p1 $0x380, s10  }
0x23: {  	s31 =	sadd.s32 $0xFFFFFFFF, s11;
	s16 =	sshll.u32 @!p1 s16, $0xD;
	s14 =	ssub.s32 @!p1 s14, s15  }
0x24: {  	s15 =	sand.u32 @!p1 $0x2000, s16;
	s16 =	sadd.s32 @!p1 s6, s17;
	s14 =	sshll.u32 @!p1 s14, $0x4  }
0x25: {  	s17 =	simm.s32 @!p1 $0x1C00;
	s14 =	sadd.s32 @!p1 s14, s16;
	s16 =	simm.s32 @!p1 $0x40  }
0x26: {  	[tilespmem:s15], [sflag:$0x1] =	stream.strided.gather @!p1 [hbm4b:s14+s16], $0x2000, s17, s16, $0x38;
	[tilespmem:$0x8080] =	vst v63  }
0x27: {  	p1 =	sge.u32 s31, s5  }
.Ltmp2:
0x28: {  	_ = 	snop;
	(pc) =	sbr.rel @p1 .LBB1_5-.Ltmp2, $1  }
0x29: {  	_ =	sdelay $0x3  }
0x2a: {  	s14 =	simm.s32 $0x1  }
0x2b: {  	_ =	swait.ge [sflag:s4], $0x2000;
	s14 =	simm.s32 @!p0 $0x0  }
0x2c: {  	[sflag:s4] =	ssyncset.done $0x0;
	s15 =	sshll.u32 s14, $0xD  }
0x2d: {  	[sflag:s4] =	ssyncadd.s32 $0xFFFFE000;
	s18 =	sor.u32 $0x20, s15  }
0x2e: {  	s14 =	smul.u32 $0x8100, s14;
	v3 =	vld [tilespmem:s18+$0x10]  }
0x2f: {  	s30 =	sand.u32 $0x1, s11;
	v2 =	vld [tilespmem:s18+$0xFFFFFFF0]  }
0x30: {  	s15 =	smul.u32 $0x8100, s30;
	s14 =	sshrl.u32 s14, $0x2;
	v0 =	vld [tilespmem:s18+$0x0]  }
0x31: {  	v1 =	vld [tilespmem:s18+$0xFFFFFFE0];
	s16 =	sor.u32 $0x4000, s14  }
0x32: {  	s31 =	sshrl.u32 s15, $0x2;
	s15 =	sadd.s32 $0x0, s16  }
0x33: {  	s17 =	simm.s32 $0x4;
	s18 =	sadd.s32 $0x40, s18;
	s14 =	sor.u32 $0x4000, s31;
	[tilespmem:s15+$0x1830 ss:$0x81] =	vst.msk $0xffff, v3  }
.LBB1_3:
0x34: {  	v3 =	vld [tilespmem:s18+$0x10];
	p1 =	sne.s32 s17, $0x1FC;
	[tilespmem:s15+$0x810 ss:$0x81] =	vst.msk $0xffff, v2;
	s19 =	smov.u32 s17;
	s17 =	sadd.s32 $0x4, s17  }
.Ltmp3:
0x35: {  	v2 =	vld [tilespmem:s18+$0xFFFFFFF0];
	[tilespmem:s15+$0x1020 ss:$0x81] =	vst.msk $0xffff, v0;
	(pc) =	sbr.rel @p1 .LBB1_3-.Ltmp3, $4  }
0x36: {  	v0 =	vld [tilespmem:s18+$0x0];
	[tilespmem:s15+$0x0 ss:$0x81] =	vst.msk $0xffff, v1  }
0x37: {  	s15 =	sshra.s32 s19, $0x2;
	v1 =	vld [tilespmem:s18+$0xFFFFFFE0]  }
0x38: {  	s15 =	sadd.s32 s15, s16  }
0x39: {  	s18 =	sadd.s32 $0x40, s18;
	[tilespmem:s15+$0x1830 ss:$0x81] =	vst.msk $0xffff, v3  }
.Ltmp4:
0x3a: {  	_ = 	snop;
	(pc) =	sbr.rel .LBB1_4-.Ltmp4, $1  }
0x3b: {  	_ =	sdelay $0x3  }
.LBB1_6:
0x3c: {  	_ =	sfence.sel $0x180000  }
0x3d: {  	s2 =	simm.s32 $0x1;
	[bflag:$0x0] =	sbarrier.arrive $0xFFFF  }
0x3e: {  	s31 =	simm.s32 $0x2;
	[sflag:s2] =	ssyncpa.u1 $0x1  }
0x3f: {  	[sflag:s31] =	ssyncpa.u1 $0x1  }
0x40: {  	p0 =	sne.s32 s0, $0x0;
	_ =	strace $0x9000004A  }
0x41: {  	s0 =	sadd.s32 @!p0 $0x100000, s1;
	[bflag:$0x2] =	sbarrier.arrive $0xFFFF  }
0x42: {  	[sflag:s0] =	ssyncadd.tile.s32 @!p0 $0x1;
	_ =	shalt  }
.Lfunc_end1:
_tile_overlayer_lowered:
.L_overlay_start_2:
0x43: {  	(tag) =	ssettag $0x2  }
0x44: {  	s0 =	rddreg [dreg:$0x0];
	s2 =	stileid.u32  }
0x45: {  	s1 =	rddreg [dreg:$0x1];
	p0 =	sne.s32 s2, $0x0  }
0x46: {  	s3 =	rddreg [dreg:$0x2];
	[bflag:$0x3] =	sbarrier.arrive $0xFFFF;
	s2 =	simm.s32 @!p0 $0x1C01  }
0x47: {  	[timem:s3], [sflag:s2] =	dma.local @!p0 [hbm:s0], s1  }
0x48: {  	s0 =	simm.s32 @!p0 $0x1  }
0x49: {  	_ =	swait.ge @!p0 [sflag:s0], s1  }
0x4a: {  	s1 =	ssub.s32 @!p0 $0x0, s1;
	[sflag:s0] =	ssyncset.done @!p0 $0x0  }
0x4b: {  	[sflag:s0] =	ssyncadd.s32 @!p0 s1  }
0x4c: {  	[bflag:$0x3] =	sbarrier.arrive $0xFFFF  }
0x4d: {  	_ =	shalt  }

</sc_bundles>
